<compile_context>
chip_gen: v7x
topology: tpu7x:2x2x1
jax: 0.10.2.dev20260603
libtpu: 0.0.44.dev20260713+nightly
codegen_flags: <defaults>
</compile_context>

<pallas_src>
import functools

import jax
import jax.numpy as jnp
from jax import lax
from jax.experimental import pallas as pl
from jax.experimental.pallas import tpu as pltpu
from jax.experimental.pallas import tpu_sc as plsc

_CHUNK = 80


def _round_up(v, m):
    return (v + m - 1) // m * m


def _make_sc_agg(n_rows, n_edges, dim, with_deg, chunk):
    info = plsc.get_sparse_core_info()
    nc, ns = info.num_cores, info.num_subcores
    nw = nc * ns
    nchunks = n_edges // chunk
    steps = nchunks // nw
    rps = n_rows // ns

    mesh = plsc.VectorSubcoreMesh(core_axis_name="c", subcore_axis_name="s")

    out_type = jax.ShapeDtypeStruct((nc * n_rows, dim), jnp.float32)
    scratch = [
        pltpu.VMEM_SHARED((n_rows, dim), jnp.float32),
        pltpu.VMEM((2, 8, chunk), jnp.int32),
        pltpu.VMEM((2, chunk, dim), jnp.float32),
        pltpu.SemaphoreType.DMA,
        pltpu.SemaphoreType.DMA,
    ]

    def make_body(feat, idxpack, onehot, zeros_f, out_agg,
                  agg_sh, idx_v, rows_v, sem0, sem1):
        sems = (sem0, sem1)
        c = lax.axis_index("c")
        s = lax.axis_index("s")
        wid = s * nc + c
        r0 = s * rps
        pltpu.sync_copy(zeros_f.at[pl.ds(r0, rps)],
                        agg_sh.at[pl.ds(r0, rps)])
        plsc.subcore_barrier()

        base = wid * steps

        def loop_phase(table, gi, si):
            def load(i, b):
                pltpu.sync_copy(idxpack.at[base + i], idx_v.at[b])
                pltpu.async_copy(table.at[idx_v.at[b, gi]], rows_v.at[b],
                                 sems[b])

            def drain_scatter(b):
                pltpu.make_async_copy(table.at[idx_v.at[b, gi]],
                                      rows_v.at[b], sems[b]).wait()
                pltpu.sync_copy(rows_v.at[b], agg_sh.at[idx_v.at[b, si]],
                                add=True)

            load(0, 0)
            if steps > 1:
                load(1, 1)

            def pair(p, carry):
                i0 = 2 * p

                drain_scatter(0)

                @pl.when(i0 + 2 < steps)
                def _():
                    load(i0 + 2, 0)

                drain_scatter(1)

                @pl.when(i0 + 3 < steps)
                def _():
                    load(i0 + 3, 1)

                return carry

            lax.fori_loop(0, steps // 2, pair, 0)
            if steps % 2:
                drain_scatter(0)

        loop_phase(feat, 0, 1)
        if with_deg:
            loop_phase(onehot, 2, 3)

        plsc.subcore_barrier()
        o0 = c * n_rows + r0
        pltpu.sync_copy(agg_sh.at[pl.ds(r0, rps)],
                        out_agg.at[pl.ds(o0, rps)])

    if with_deg:
        @functools.partial(
            pl.kernel, mesh=mesh, out_type=[out_type], scratch_types=scratch)
        def sc_kernel(feat, idxpack, onehot, zeros_f, out_agg,
                      agg_sh, idx_v, rows_v, sem0, sem1):
            make_body(feat, idxpack, onehot, zeros_f, out_agg,
                      agg_sh, idx_v, rows_v, sem0, sem1)
    else:
        @functools.partial(
            pl.kernel, mesh=mesh, out_type=[out_type], scratch_types=scratch)
        def sc_kernel(feat, idxpack, zeros_f, out_agg,
                      agg_sh, idx_v, rows_v, sem0, sem1):
            make_body(feat, idxpack, None, zeros_f, out_agg,
                      agg_sh, idx_v, rows_v, sem0, sem1)

    return sc_kernel


def _tc_layer1(aggp_ref, degp0_ref, degp1_ref, x_ref, wl_ref, bl_ref,
               wr_ref, g_ref, b_ref, h_ref):
    n = x_ref.shape[0]
    np_ = aggp_ref.shape[0] // 2
    agg = aggp_ref[0:n, :] + aggp_ref[np_:np_ + n, :]
    deg = degp0_ref[0:n, 0:1] + degp1_ref[0:n, 0:1]
    mean = agg / jnp.maximum(deg, 1.0)
    h = (jnp.dot(mean, wl_ref[...], preferred_element_type=jnp.float32)
         + jnp.dot(x_ref[...], wr_ref[...], preferred_element_type=jnp.float32)
         + bl_ref[...])
    mu = jnp.mean(h, axis=0, keepdims=True)
    var = jnp.mean((h - mu) * (h - mu), axis=0, keepdims=True)
    hn = (h - mu) * lax.rsqrt(var + 1e-5) * g_ref[...] + b_ref[...]
    h_ref[...] = jnp.maximum(hn, 0.0)


def _tc_layer2(aggp_ref, degp0_ref, degp1_ref, x_ref, wl_ref, bl_ref,
               wr_ref, g_ref, b_ref, wd_ref, bd_ref, logits_ref, h_ref):
    n = x_ref.shape[0]
    np_ = aggp_ref.shape[0] // 2
    agg = aggp_ref[0:n, :] + aggp_ref[np_:np_ + n, :]
    deg = degp0_ref[0:n, 0:1] + degp1_ref[0:n, 0:1]
    mean = agg / jnp.maximum(deg, 1.0)
    h = (jnp.dot(mean, wl_ref[...], preferred_element_type=jnp.float32)
         + jnp.dot(x_ref[...], wr_ref[...], preferred_element_type=jnp.float32)
         + bl_ref[...])
    mu = jnp.mean(h, axis=0, keepdims=True)
    var = jnp.mean((h - mu) * (h - mu), axis=0, keepdims=True)
    hn = (h - mu) * lax.rsqrt(var + 1e-5) * g_ref[...] + b_ref[...]
    h2 = jnp.maximum(hn, 0.0)
    h_ref[...] = h2
    logits_ref[...] = (
        jnp.dot(h2, wd_ref[...], preferred_element_type=jnp.float32)
        + bd_ref[...])


def kernel(x, edge_index, Wl1, bl1, Wr1, g1, b1, Wl2, bl2, Wr2, g2, b2,
           Wd, bd):
    n, d = x.shape
    e = edge_index.shape[1]
    d_out = Wd.shape[0]

    n_pad = _round_up(n, 16 * 8)
    n_deg = n_pad // 8
    n_l1 = _round_up(n_pad + n_deg, 16 * 8)
    nchunks = e // _CHUNK

    src = edge_index[0]
    dst = edge_index[1]
    rep = 64
    onehot = (jnp.arange(d, dtype=jnp.int32)[None, :] // 16
              == jnp.arange(8, dtype=jnp.int32)[:, None]).astype(jnp.float32)
    onehot = jnp.tile(onehot, (rep, 1))
    replica = (jnp.arange(e, dtype=jnp.int32) // _CHUNK) % rep
    streams = jnp.stack(
        [src, dst, dst % 8 + 8 * replica, n_pad + dst // 8], axis=0)
    idxpack = streams.reshape(4, nchunks, _CHUNK).transpose(1, 0, 2)
    idxpack = jnp.concatenate(
        [idxpack, jnp.zeros((nchunks, 4, _CHUNK), jnp.int32)], axis=1)
    zeros_l1 = jnp.zeros((n_l1, d), jnp.float32)
    zeros_l2 = jnp.zeros((n_pad, d), jnp.float32)

    sc_l1 = _make_sc_agg(n_l1, e, d, with_deg=True, chunk=_CHUNK)
    sc_l2 = _make_sc_agg(n_pad, e, d, with_deg=False, chunk=_CHUNK)

    out1, = sc_l1(x, idxpack, onehot, zeros_l1)
    degp0 = out1[n_pad:n_pad + n_deg].reshape(n_pad, 16)
    degp1 = out1[n_l1 + n_pad:n_l1 + n_pad + n_deg].reshape(n_pad, 16)

    h1 = pl.pallas_call(
        _tc_layer1,
        out_shape=jax.ShapeDtypeStruct((n, d), jnp.float32),
    )(out1, degp0, degp1, x, Wl1.T, bl1.reshape(1, d), Wr1.T,
      g1.reshape(1, d), b1.reshape(1, d))

    aggp2, = sc_l2(h1, idxpack, zeros_l2)

    logits, h2 = pl.pallas_call(
        _tc_layer2,
        out_shape=[
            jax.ShapeDtypeStruct((n, d_out), jnp.float32),
            jax.ShapeDtypeStruct((n, d), jnp.float32),
        ],
    )(aggp2, degp0, degp1, h1, Wl2.T, bl2.reshape(1, d), Wr2.T,
      g2.reshape(1, d), b2.reshape(1, d), Wd.T, bd.reshape(1, d_out))

    return (logits, h2)

# --- scband reference (transcript-rebuilt; emitter-appended) ---
"""Pipeline reference for scband-homogeneous-graph-sage-43130061586801 (READ-ONLY COPY).

The authoritative reference and input builder live on the scoring server;
editing this copy changes nothing except your own understanding.
"""

import jax, jax.numpy as jnp
import numpy as np

N = 10000
E = 320000
D_IN = 128
D_H = 128
D_OUT = 40


def setup_inputs(seed: int = 0) -> dict:
    key = jax.random.key(seed)
    ks = jax.random.split(key, 16)
    x = jax.random.normal(ks[0], (N, D_IN), dtype=jnp.float32)
    edge_index = jax.random.randint(ks[1], (2, E), 0, N, dtype=jnp.int32)
    s_in = 1.0 / np.sqrt(D_IN)
    s_h = 1.0 / np.sqrt(D_H)
    # SAGEConv layer 1 (in_channels=128 -> hidden_channels=128)
    Wl1 = jax.random.uniform(ks[2], (D_H, D_IN), jnp.float32, -s_in, s_in)
    bl1 = jax.random.uniform(ks[3], (D_H,), jnp.float32, -s_in, s_in)
    Wr1 = jax.random.uniform(ks[4], (D_H, D_IN), jnp.float32, -s_in, s_in)
    g1 = jnp.ones((D_H,), jnp.float32)
    b1 = jnp.zeros((D_H,), jnp.float32)
    # SAGEConv layer 2 (hidden -> hidden)
    Wl2 = jax.random.uniform(ks[5], (D_H, D_H), jnp.float32, -s_h, s_h)
    bl2 = jax.random.uniform(ks[6], (D_H,), jnp.float32, -s_h, s_h)
    Wr2 = jax.random.uniform(ks[7], (D_H, D_H), jnp.float32, -s_h, s_h)
    g2 = jnp.ones((D_H,), jnp.float32)
    b2 = jnp.zeros((D_H,), jnp.float32)
    # Decoder Linear(hidden -> out)
    Wd = jax.random.uniform(ks[8], (D_OUT, D_H), jnp.float32, -s_h, s_h)
    bd = jax.random.uniform(ks[9], (D_OUT,), jnp.float32, -s_h, s_h)
    return {
        "x": x, "edge_index": edge_index,
        "Wl1": Wl1, "bl1": bl1, "Wr1": Wr1, "g1": g1, "b1": b1,
        "Wl2": Wl2, "bl2": bl2, "Wr2": Wr2, "g2": g2, "b2": b2,
        "Wd": Wd, "bd": bd,
    }


def _sage_conv(x, src, dst, Wl, bl, Wr):
    # PyG SAGEConv(aggr='mean'): out = lin_l(mean_{j in N(i)} x_j) + lin_r(x_i)
    msg = x[src]                                            # gather [E, d]
    agg = jax.ops.segment_sum(msg, dst, num_segments=N)     # scatter-add
    deg = jax.ops.segment_sum(jnp.ones((src.shape[0],), x.dtype), dst, num_segments=N)
    mean = agg / jnp.clip(deg, 1.0)[:, None]
    return mean @ Wl.T + bl + x @ Wr.T


def _batchnorm(h, g, b, eps=1e-5):
    mu = h.mean(axis=0)
    var = h.var(axis=0)
    return (h - mu) / jnp.sqrt(var + eps) * g + b


def reference(x, edge_index, Wl1, bl1, Wr1, g1, b1, Wl2, bl2, Wr2, g2, b2, Wd, bd):
    src = edge_index[0]
    dst = edge_index[1]
    h = _sage_conv(x, src, dst, Wl1, bl1, Wr1)
    h = _batchnorm(h, g1, b1)
    h = jax.nn.relu(h)
    # dropout is identity in eval/inference
    h = _sage_conv(h, src, dst, Wl2, bl2, Wr2)
    h = _batchnorm(h, g2, b2)
    h = jax.nn.relu(h)
    embeddings = h
    logits = embeddings @ Wd.T + bd
    return (logits, embeddings)

if __name__ == "__main__":
    import jax
    _d = setup_inputs()
    print(jax.jit(kernel)(*tuple(_d.values())))

</pallas_src>

<mosaic_0001>
#map = affine_map<(d0, d1) -> (0, 0)>
#map1 = affine_map<(d0, d1) -> (0, 0, 0)>
module attributes {stable_mosaic.version = 14 : i64} {
  func.func @sc_kernel(%arg0: i32, %arg1: i32, %arg2: memref<10000x128xf32, #tpu.memory_space<hbm>>, %arg3: memref<4000x8x80xi32, #tpu.memory_space<hbm>>, %arg4: memref<10112x128xf32, #tpu.memory_space<hbm>>, %arg5: memref<20224x128xf32, #tpu.memory_space<hbm>>, %arg6: memref<10112x128xf32, #tpu.memory_space<vmem_shared>>, %arg7: memref<2x8x80xi32, #tpu.memory_space<vmem>>, %arg8: memref<2x80x128xf32, #tpu.memory_space<vmem>>, %arg9: memref<!tpu.dma_semaphore, #tpu.memory_space<semaphore_mem>>, %arg10: memref<!tpu.dma_semaphore, #tpu.memory_space<semaphore_mem>>) attributes {dimension_semantics = [#tpu.dimension_semantics<core_parallel>, #tpu.dimension_semantics<subcore_parallel>], iteration_bounds = array<i64: 2, 16>, scalar_prefetch = 0 : i64, scratch_operands = 5 : i64, tpu.core_type = #tpu.core_type<sc_vector_subcore>, window_params = [{transform_indices = #map}, {transform_indices = #map1}, {transform_indices = #map}, {transform_indices = #map}]} {
    %mul3A = arith.constant 2 : i32
    %mul3A_0 = arith.muli %arg1, %mul3A : i32
    %add3A = arith.addi %mul3A_0, %arg0 : i32
    %mul3A_1 = arith.constant 632 : i32
    %mul3A_2 = arith.muli %arg1, %mul3A_1 : i32
    "tpu.region"() ({
      %run_scoped3A_59 = tpu.sem_alloc : memref<!tpu.dma_semaphore, #tpu.memory_space<semaphore_mem>>
      %dma_start3A_60 = arith.constant 0 : i32
      %dma_start3A_61 = tpu.memref_slice %arg6[%mul3A_2, %dma_start3A_60] : memref<10112x128xf32, #tpu.memory_space<vmem_shared>> -> memref<632x128xf32, #tpu.memory_space<vmem_shared>>
      %dma_start3A_62 = arith.constant 0 : i32
      %dma_start3A_63 = tpu.memref_slice %arg4[%mul3A_2, %dma_start3A_62] : memref<10112x128xf32, #tpu.memory_space<hbm>> -> memref<632x128xf32, #tpu.memory_space<hbm>>
      tpu.enqueue_dma source(%dma_start3A_63 : memref<632x128xf32, #tpu.memory_space<hbm>>) target(%dma_start3A_61 : memref<632x128xf32, #tpu.memory_space<vmem_shared>>) target_semaphore(%run_scoped3A_59 : memref<!tpu.dma_semaphore, #tpu.memory_space<semaphore_mem>>)
      %dma_wait3A_64 = arith.constant 0 : i32
      %dma_wait3A_65 = tpu.memref_slice %arg6[%mul3A_2, %dma_wait3A_64] : memref<10112x128xf32, #tpu.memory_space<vmem_shared>> -> memref<632x128xf32, #tpu.memory_space<vmem_shared>>
      %dma_wait3A_66 = arith.constant 0 : i32
      %dma_wait3A_67 = tpu.memref_slice %arg4[%mul3A_2, %dma_wait3A_66] : memref<10112x128xf32, #tpu.memory_space<hbm>> -> memref<632x128xf32, #tpu.memory_space<hbm>>
      tpu.wait_dma2 semaphore(%run_scoped3A_59 : memref<!tpu.dma_semaphore, #tpu.memory_space<semaphore_mem>>) src(%dma_wait3A_67 : memref<632x128xf32, #tpu.memory_space<hbm>>) dst(%dma_wait3A_65 : memref<632x128xf32, #tpu.memory_space<vmem_shared>>)
      tpu.yield
    }) : () -> ()
    %barrier3A = arith.constant 0 : index
    tpu.barrier barrier_id(%barrier3A)
    %mul3A_3 = arith.constant 125 : i32
    %mul3A_4 = arith.muli %add3A, %mul3A_3 : i32
    %add3A_5 = arith.constant 0 : i32
    %add3A_6 = arith.addi %mul3A_4, %add3A_5 : i32
    %run_scoped3A = arith.constant 0 : i32
    "tpu.region"() ({
      %run_scoped3A_59 = tpu.sem_alloc : memref<!tpu.dma_semaphore, #tpu.memory_space<semaphore_mem>>
      %dma_start3A_60 = arith.constant 0 : i32
      %dma_start3A_61 = arith.constant 0 : i32
      %dma_start3A_62 = tpu.memref_slice %arg7[%run_scoped3A, %dma_start3A_60, %dma_start3A_61] : memref<2x8x80xi32, #tpu.memory_space<vmem>> -> memref<1x8x80xi32, #tpu.memory_space<vmem>>
      %dma_start3A_63 = tpu.memref_squeeze %dma_start3A_62 : memref<1x8x80xi32, #tpu.memory_space<vmem>> -> memref<8x80xi32, #tpu.memory_space<vmem>>
      %dma_start3A_64 = arith.constant 0 : i32
      %dma_start3A_65 = arith.constant 0 : i32
      %dma_start3A_66 = tpu.memref_slice %arg3[%add3A_6, %dma_start3A_64, %dma_start3A_65] : memref<4000x8x80xi32, #tpu.memory_space<hbm>> -> memref<1x8x80xi32, #tpu.memory_space<hbm>>
      %dma_start3A_67 = tpu.memref_squeeze %dma_start3A_66 : memref<1x8x80xi32, #tpu.memory_space<hbm>> -> memref<8x80xi32, #tpu.memory_space<hbm>>
      %dma_start3A_68 = arith.constant 0 : i32
      %dma_start3A_69 = arith.constant 0 : i32
      %dma_start3A_70 = tpu.memref_slice %arg7[%run_scoped3A, %dma_start3A_68, %dma_start3A_69] : memref<2x8x80xi32, #tpu.memory_space<vmem>> -> memref<1x8x80xi32, #tpu.memory_space<vmem>>
      %dma_start3A_71 = tpu.memref_squeeze %dma_start3A_70 : memref<1x8x80xi32, #tpu.memory_space<vmem>> -> memref<8x80xi32, #tpu.memory_space<vmem>>
      %dma_start3A_72 = arith.constant 0 : i32
      %dma_start3A_73 = arith.constant 0 : i32
      %dma_start3A_74 = tpu.memref_slice %arg3[%add3A_6, %dma_start3A_72, %dma_start3A_73] : memref<4000x8x80xi32, #tpu.memory_space<hbm>> -> memref<1x8x80xi32, #tpu.memory_space<hbm>>
      %dma_start3A_75 = tpu.memref_squeeze %dma_start3A_74 : memref<1x8x80xi32, #tpu.memory_space<hbm>> -> memref<8x80xi32, #tpu.memory_space<hbm>>
      tpu.enqueue_dma source(%dma_start3A_75 : memref<8x80xi32, #tpu.memory_space<hbm>>) target(%dma_start3A_71 : memref<8x80xi32, #tpu.memory_space<vmem>>) target_semaphore(%run_scoped3A_59 : memref<!tpu.dma_semaphore, #tpu.memory_space<semaphore_mem>>)
      %dma_wait3A_76 = arith.constant 0 : i32
      %dma_wait3A_77 = arith.constant 0 : i32
      %dma_wait3A_78 = tpu.memref_slice %arg7[%run_scoped3A, %dma_wait3A_76, %dma_wait3A_77] : memref<2x8x80xi32, #tpu.memory_space<vmem>> -> memref<1x8x80xi32, #tpu.memory_space<vmem>>
      %dma_wait3A_79 = tpu.memref_squeeze %dma_wait3A_78 : memref<1x8x80xi32, #tpu.memory_space<vmem>> -> memref<8x80xi32, #tpu.memory_space<vmem>>
      %dma_wait3A_80 = arith.constant 0 : i32
      %dma_wait3A_81 = arith.constant 0 : i32
      %dma_wait3A_82 = tpu.memref_slice %arg3[%add3A_6, %dma_wait3A_80, %dma_wait3A_81] : memref<4000x8x80xi32, #tpu.memory_space<hbm>> -> memref<1x8x80xi32, #tpu.memory_space<hbm>>
      %dma_wait3A_83 = tpu.memref_squeeze %dma_wait3A_82 : memref<1x8x80xi32, #tpu.memory_space<hbm>> -> memref<8x80xi32, #tpu.memory_space<hbm>>
      %dma_wait3A_84 = arith.constant 0 : i32
      %dma_wait3A_85 = arith.constant 0 : i32
      %dma_wait3A_86 = tpu.memref_slice %arg7[%run_scoped3A, %dma_wait3A_84, %dma_wait3A_85] : memref<2x8x80xi32, #tpu.memory_space<vmem>> -> memref<1x8x80xi32, #tpu.memory_space<vmem>>
      %dma_wait3A_87 = tpu.memref_squeeze %dma_wait3A_86 : memref<1x8x80xi32, #tpu.memory_space<vmem>> -> memref<8x80xi32, #tpu.memory_space<vmem>>
      %dma_wait3A_88 = arith.constant 0 : i32
      %dma_wait3A_89 = arith.constant 0 : i32
      %dma_wait3A_90 = tpu.memref_slice %arg3[%add3A_6, %dma_wait3A_88, %dma_wait3A_89] : memref<4000x8x80xi32, #tpu.memory_space<hbm>> -> memref<1x8x80xi32, #tpu.memory_space<hbm>>
      %dma_wait3A_91 = tpu.memref_squeeze %dma_wait3A_90 : memref<1x8x80xi32, #tpu.memory_space<hbm>> -> memref<8x80xi32, #tpu.memory_space<hbm>>
      tpu.wait_dma2 semaphore(%run_scoped3A_59 : memref<!tpu.dma_semaphore, #tpu.memory_space<semaphore_mem>>) src(%dma_wait3A_91 : memref<8x80xi32, #tpu.memory_space<hbm>>) dst(%dma_wait3A_87 : memref<8x80xi32, #tpu.memory_space<vmem>>)
      tpu.yield
    }) : () -> ()
    %dma_start3A = arith.constant 0 : i32
    %dma_start3A_7 = arith.constant 0 : i32
    %dma_start3A_8 = arith.constant 0 : i32
    %dma_start3A_9 = arith.constant 0 : i32
    %dma_start3A_10 = arith.constant 0 : i32
    %dma_start3A_11 = tpu.memref_slice %arg8[%dma_start3A_8, %dma_start3A_9, %dma_start3A_10] : memref<2x80x128xf32, #tpu.memory_space<vmem>> -> memref<1x80x128xf32, #tpu.memory_space<vmem>>
    %dma_start3A_12 = tpu.memref_squeeze %dma_start3A_11 : memref<1x80x128xf32, #tpu.memory_space<vmem>> -> memref<80x128xf32, #tpu.memory_space<vmem>>
    %dma_start3A_13 = arith.constant 0 : i32
    %dma_start3A_14 = tpu.memref_slice %arg7[%dma_start3A, %dma_start3A_7, %dma_start3A_13] : memref<2x8x80xi32, #tpu.memory_space<vmem>> -> memref<1x1x80xi32, #tpu.memory_space<vmem>>
    %dma_start3A_15 = tpu.memref_squeeze %dma_start3A_14 : memref<1x1x80xi32, #tpu.memory_space<vmem>> -> memref<80xi32, #tpu.memory_space<vmem>>
    %dma_start3A_16 = arith.constant 0 : i32
    %dma_start3A_17 = arith.constant 0 : i32
    %dma_start3A_18 = tpu.memref_slice %arg2[%dma_start3A_16, %dma_start3A_17] : memref<10000x128xf32, #tpu.memory_space<hbm>> -> memref<10000x128xf32, #tpu.memory_space<hbm>>
    tpu.enqueue_indirect_dma source(%dma_start3A_18 : memref<10000x128xf32, #tpu.memory_space<hbm>>) target(%dma_start3A_12 : memref<80x128xf32, #tpu.memory_space<vmem>>) offsets(%dma_start3A_15 : memref<80xi32, #tpu.memory_space<vmem>>) semaphore(%arg9 : memref<!tpu.dma_semaphore, #tpu.memory_space<semaphore_mem>>)
    %add3A_19 = arith.constant 1 : i32
    %add3A_20 = arith.addi %mul3A_4, %add3A_19 : i32
    %run_scoped3A_21 = arith.constant 1 : i32
    "tpu.region"() ({
      %run_scoped3A_59 = tpu.sem_alloc : memref<!tpu.dma_semaphore, #tpu.memory_space<semaphore_mem>>
      %dma_start3A_60 = arith.constant 0 : i32
      %dma_start3A_61 = arith.constant 0 : i32
      %dma_start3A_62 = tpu.memref_slice %arg7[%run_scoped3A_21, %dma_start3A_60, %dma_start3A_61] : memref<2x8x80xi32, #tpu.memory_space<vmem>> -> memref<1x8x80xi32, #tpu.memory_space<vmem>>
      %dma_start3A_63 = tpu.memref_squeeze %dma_start3A_62 : memref<1x8x80xi32, #tpu.memory_space<vmem>> -> memref<8x80xi32, #tpu.memory_space<vmem>>
      %dma_start3A_64 = arith.constant 0 : i32
      %dma_start3A_65 = arith.constant 0 : i32
      %dma_start3A_66 = tpu.memref_slice %arg3[%add3A_20, %dma_start3A_64, %dma_start3A_65] : memref<4000x8x80xi32, #tpu.memory_space<hbm>> -> memref<1x8x80xi32, #tpu.memory_space<hbm>>
      %dma_start3A_67 = tpu.memref_squeeze %dma_start3A_66 : memref<1x8x80xi32, #tpu.memory_space<hbm>> -> memref<8x80xi32, #tpu.memory_space<hbm>>
      %dma_start3A_68 = arith.constant 0 : i32
      %dma_start3A_69 = arith.constant 0 : i32
      %dma_start3A_70 = tpu.memref_slice %arg7[%run_scoped3A_21, %dma_start3A_68, %dma_start3A_69] : memref<2x8x80xi32, #tpu.memory_space<vmem>> -> memref<1x8x80xi32, #tpu.memory_space<vmem>>
      %dma_start3A_71 = tpu.memref_squeeze %dma_start3A_70 : memref<1x8x80xi32, #tpu.memory_space<vmem>> -> memref<8x80xi32, #tpu.memory_space<vmem>>
      %dma_start3A_72 = arith.constant 0 : i32
      %dma_start3A_73 = arith.constant 0 : i32
      %dma_start3A_74 = tpu.memref_slice %arg3[%add3A_20, %dma_start3A_72, %dma_start3A_73] : memref<4000x8x80xi32, #tpu.memory_space<hbm>> -> memref<1x8x80xi32, #tpu.memory_space<hbm>>
      %dma_start3A_75 = tpu.memref_squeeze %dma_start3A_74 : memref<1x8x80xi32, #tpu.memory_space<hbm>> -> memref<8x80xi32, #tpu.memory_space<hbm>>
      tpu.enqueue_dma source(%dma_start3A_75 : memref<8x80xi32, #tpu.memory_space<hbm>>) target(%dma_start3A_71 : memref<8x80xi32, #tpu.memory_space<vmem>>) target_semaphore(%run_scoped3A_59 : memref<!tpu.dma_semaphore, #tpu.memory_space<semaphore_mem>>)
      %dma_wait3A_76 = arith.constant 0 : i32
      %dma_wait3A_77 = arith.constant 0 : i32
      %dma_wait3A_78 = tpu.memref_slice %arg7[%run_scoped3A_21, %dma_wait3A_76, %dma_wait3A_77] : memref<2x8x80xi32, #tpu.memory_space<vmem>> -> memref<1x8x80xi32, #tpu.memory_space<vmem>>
      %dma_wait3A_79 = tpu.memref_squeeze %dma_wait3A_78 : memref<1x8x80xi32, #tpu.memory_space<vmem>> -> memref<8x80xi32, #tpu.memory_space<vmem>>
      %dma_wait3A_80 = arith.constant 0 : i32
      %dma_wait3A_81 = arith.constant 0 : i32
      %dma_wait3A_82 = tpu.memref_slice %arg3[%add3A_20, %dma_wait3A_80, %dma_wait3A_81] : memref<4000x8x80xi32, #tpu.memory_space<hbm>> -> memref<1x8x80xi32, #tpu.memory_space<hbm>>
      %dma_wait3A_83 = tpu.memref_squeeze %dma_wait3A_82 : memref<1x8x80xi32, #tpu.memory_space<hbm>> -> memref<8x80xi32, #tpu.memory_space<hbm>>
      %dma_wait3A_84 = arith.constant 0 : i32
      %dma_wait3A_85 = arith.constant 0 : i32
      %dma_wait3A_86 = tpu.memref_slice %arg7[%run_scoped3A_21, %dma_wait3A_84, %dma_wait3A_85] : memref<2x8x80xi32, #tpu.memory_space<vmem>> -> memref<1x8x80xi32, #tpu.memory_space<vmem>>
      %dma_wait3A_87 = tpu.memref_squeeze %dma_wait3A_86 : memref<1x8x80xi32, #tpu.memory_space<vmem>> -> memref<8x80xi32, #tpu.memory_space<vmem>>
      %dma_wait3A_88 = arith.constant 0 : i32
      %dma_wait3A_89 = arith.constant 0 : i32
      %dma_wait3A_90 = tpu.memref_slice %arg3[%add3A_20, %dma_wait3A_88, %dma_wait3A_89] : memref<4000x8x80xi32, #tpu.memory_space<hbm>> -> memref<1x8x80xi32, #tpu.memory_space<hbm>>
      %dma_wait3A_91 = tpu.memref_squeeze %dma_wait3A_90 : memref<1x8x80xi32, #tpu.memory_space<hbm>> -> memref<8x80xi32, #tpu.memory_space<hbm>>
      tpu.wait_dma2 semaphore(%run_scoped3A_59 : memref<!tpu.dma_semaphore, #tpu.memory_space<semaphore_mem>>) src(%dma_wait3A_91 : memref<8x80xi32, #tpu.memory_space<hbm>>) dst(%dma_wait3A_87 : memref<8x80xi32, #tpu.memory_space<vmem>>)
      tpu.yield
    }) : () -> ()
    %dma_start3A_22 = arith.constant 1 : i32
    %dma_start3A_23 = arith.constant 0 : i32
    %dma_start3A_24 = arith.constant 1 : i32
    %dma_start3A_25 = arith.constant 0 : i32
    %dma_start3A_26 = arith.constant 0 : i32
    %dma_start3A_27 = tpu.memref_slice %arg8[%dma_start3A_24, %dma_start3A_25, %dma_start3A_26] : memref<2x80x128xf32, #tpu.memory_space<vmem>> -> memref<1x80x128xf32, #tpu.memory_space<vmem>>
    %dma_start3A_28 = tpu.memref_squeeze %dma_start3A_27 : memref<1x80x128xf32, #tpu.memory_space<vmem>> -> memref<80x128xf32, #tpu.memory_space<vmem>>
    %dma_start3A_29 = arith.constant 0 : i32
    %dma_start3A_30 = tpu.memref_slice %arg7[%dma_start3A_22, %dma_start3A_23, %dma_start3A_29] : memref<2x8x80xi32, #tpu.memory_space<vmem>> -> memref<1x1x80xi32, #tpu.memory_space<vmem>>
    %dma_start3A_31 = tpu.memref_squeeze %dma_start3A_30 : memref<1x1x80xi32, #tpu.memory_space<vmem>> -> memref<80xi32, #tpu.memory_space<vmem>>
    %dma_start3A_32 = arith.constant 0 : i32
    %dma_start3A_33 = arith.constant 0 : i32
    %dma_start3A_34 = tpu.memref_slice %arg2[%dma_start3A_32, %dma_start3A_33] : memref<10000x128xf32, #tpu.memory_space<hbm>> -> memref<10000x128xf32, #tpu.memory_space<hbm>>
    tpu.enqueue_indirect_dma source(%dma_start3A_34 : memref<10000x128xf32, #tpu.memory_space<hbm>>) target(%dma_start3A_28 : memref<80x128xf32, #tpu.memory_space<vmem>>) offsets(%dma_start3A_31 : memref<80xi32, #tpu.memory_space<vmem>>) semaphore(%arg10 : memref<!tpu.dma_semaphore, #tpu.memory_space<semaphore_mem>>)
    %scan3A = arith.constant 0 : i32
    %scan3A_35 = arith.constant 0 : i32
    %scan3A_36 = arith.constant 62 : i32
    %scan3A_37 = arith.addi %scan3A_35, %scan3A_36 : i32
    %scan3A_38 = arith.constant 1 : i32
    scf.for %scan3A_59 = %scan3A_35 to %scan3A_37 step %scan3A_38  : i32 {
      %mul3A_60 = arith.constant 2 : i32
      %mul3A_61 = arith.muli %mul3A_60, %scan3A_59 : i32
      %dma_wait3A_62 = arith.constant 0 : i32
      %dma_wait3A_63 = arith.constant 0 : i32
      %dma_wait3A_64 = arith.constant 0 : i32
      %dma_wait3A_65 = arith.constant 0 : i32
      %dma_wait3A_66 = arith.constant 0 : i32
      %dma_wait3A_67 = tpu.memref_slice %arg8[%dma_wait3A_64, %dma_wait3A_65, %dma_wait3A_66] : memref<2x80x128xf32, #tpu.memory_space<vmem>> -> memref<1x80x128xf32, #tpu.memory_space<vmem>>
      %dma_wait3A_68 = tpu.memref_squeeze %dma_wait3A_67 : memref<1x80x128xf32, #tpu.memory_space<vmem>> -> memref<80x128xf32, #tpu.memory_space<vmem>>
      %dma_wait3A_69 = arith.constant 0 : i32
      %dma_wait3A_70 = tpu.memref_slice %arg7[%dma_wait3A_62, %dma_wait3A_63, %dma_wait3A_69] : memref<2x8x80xi32, #tpu.memory_space<vmem>> -> memref<1x1x80xi32, #tpu.memory_space<vmem>>
      %dma_wait3A_71 = tpu.memref_squeeze %dma_wait3A_70 : memref<1x1x80xi32, #tpu.memory_space<vmem>> -> memref<80xi32, #tpu.memory_space<vmem>>
      %dma_wait3A_72 = arith.constant 0 : i32
      %dma_wait3A_73 = arith.constant 0 : i32
      %dma_wait3A_74 = tpu.memref_slice %arg2[%dma_wait3A_72, %dma_wait3A_73] : memref<10000x128xf32, #tpu.memory_space<hbm>> -> memref<10000x128xf32, #tpu.memory_space<hbm>>
      tpu.wait_indirect_dma semaphore(%arg9 : memref<!tpu.dma_semaphore, #tpu.memory_space<semaphore_mem>>) src(%dma_wait3A_74 : memref<10000x128xf32, #tpu.memory_space<hbm>>) dst(%dma_wait3A_68 : memref<80x128xf32, #tpu.memory_space<vmem>>)
      %run_scoped3A_75 = arith.constant 0 : i32
      %run_scoped3A_76 = arith.constant 0 : i32
      %run_scoped3A_77 = arith.constant 1 : i32
      "tpu.region"() ({
        %run_scoped3A_105 = tpu.sem_alloc : memref<!tpu.dma_semaphore, #tpu.memory_space<semaphore_mem>>
        %dma_start3A_106 = arith.constant 0 : i32
        %dma_start3A_107 = arith.constant 0 : i32
        %dma_start3A_108 = tpu.memref_slice %arg8[%run_scoped3A_75, %dma_start3A_106, %dma_start3A_107] : memref<2x80x128xf32, #tpu.memory_space<vmem>> -> memref<1x80x128xf32, #tpu.memory_space<vmem>>
        %dma_start3A_109 = tpu.memref_squeeze %dma_start3A_108 : memref<1x80x128xf32, #tpu.memory_space<vmem>> -> memref<80x128xf32, #tpu.memory_space<vmem>>
        %dma_start3A_110 = arith.constant 0 : i32
        %dma_start3A_111 = tpu.memref_slice %arg7[%run_scoped3A_76, %run_scoped3A_77, %dma_start3A_110] : memref<2x8x80xi32, #tpu.memory_space<vmem>> -> memref<1x1x80xi32, #tpu.memory_space<vmem>>
        %dma_start3A_112 = tpu.memref_squeeze %dma_start3A_111 : memref<1x1x80xi32, #tpu.memory_space<vmem>> -> memref<80xi32, #tpu.memory_space<vmem>>
        %dma_start3A_113 = arith.constant 0 : i32
        %dma_start3A_114 = arith.constant 0 : i32
        %dma_start3A_115 = tpu.memref_slice %arg6[%dma_start3A_113, %dma_start3A_114] : memref<10112x128xf32, #tpu.memory_space<vmem_shared>> -> memref<10112x128xf32, #tpu.memory_space<vmem_shared>>
        tpu.enqueue_indirect_dma source(%dma_start3A_109 : memref<80x128xf32, #tpu.memory_space<vmem>>) target(%dma_start3A_115 : memref<10112x128xf32, #tpu.memory_space<vmem_shared>>) offsets(%dma_start3A_112 : memref<80xi32, #tpu.memory_space<vmem>>) semaphore(%run_scoped3A_105 : memref<!tpu.dma_semaphore, #tpu.memory_space<semaphore_mem>>) {add = true}
        %dma_wait3A_116 = arith.constant 0 : i32
        %dma_wait3A_117 = arith.constant 0 : i32
        %dma_wait3A_118 = tpu.memref_slice %arg8[%run_scoped3A_75, %dma_wait3A_116, %dma_wait3A_117] : memref<2x80x128xf32, #tpu.memory_space<vmem>> -> memref<1x80x128xf32, #tpu.memory_space<vmem>>
        %dma_wait3A_119 = tpu.memref_squeeze %dma_wait3A_118 : memref<1x80x128xf32, #tpu.memory_space<vmem>> -> memref<80x128xf32, #tpu.memory_space<vmem>>
        %dma_wait3A_120 = arith.constant 0 : i32
        %dma_wait3A_121 = tpu.memref_slice %arg7[%run_scoped3A_76, %run_scoped3A_77, %dma_wait3A_120] : memref<2x8x80xi32, #tpu.memory_space<vmem>> -> memref<1x1x80xi32, #tpu.memory_space<vmem>>
        %dma_wait3A_122 = tpu.memref_squeeze %dma_wait3A_121 : memref<1x1x80xi32, #tpu.memory_space<vmem>> -> memref<80xi32, #tpu.memory_space<vmem>>
        %dma_wait3A_123 = arith.constant 0 : i32
        %dma_wait3A_124 = arith.constant 0 : i32
        %dma_wait3A_125 = tpu.memref_slice %arg6[%dma_wait3A_123, %dma_wait3A_124] : memref<10112x128xf32, #tpu.memory_space<vmem_shared>> -> memref<10112x128xf32, #tpu.memory_space<vmem_shared>>
        tpu.wait_indirect_dma semaphore(%run_scoped3A_105 : memref<!tpu.dma_semaphore, #tpu.memory_space<semaphore_mem>>) src(%dma_wait3A_119 : memref<80x128xf32, #tpu.memory_space<vmem>>) dst(%dma_wait3A_125 : memref<10112x128xf32, #tpu.memory_space<vmem_shared>>)
        tpu.yield
      }) : () -> ()
      %add3A_78 = arith.constant 2 : i32
      %add3A_79 = arith.addi %mul3A_61, %add3A_78 : i32
      %lt3A = arith.constant 125 : i32
      %lt3A_80 = arith.cmpi slt, %add3A_79, %lt3A : i32
      %convert_element_type3A = arith.extui %lt3A_80 : i1 to i32
      %cond3A = arith.constant 0 : i32
      %cond3A_81 = arith.cmpi ne, %convert_element_type3A, %cond3A : i32
      scf.if %cond3A_81 {
        %add3A_105 = arith.constant 2 : i32
        %add3A_106 = arith.addi %mul3A_61, %add3A_105 : i32
        %add3A_107 = arith.addi %mul3A_4, %add3A_106 : i32
        %run_scoped3A_108 = arith.constant 0 : i32
        "tpu.region"() ({
          %run_scoped3A_122 = tpu.sem_alloc : memref<!tpu.dma_semaphore, #tpu.memory_space<semaphore_mem>>
          %dma_start3A_123 = arith.constant 0 : i32
          %dma_start3A_124 = arith.constant 0 : i32
          %dma_start3A_125 = tpu.memref_slice %arg7[%run_scoped3A_108, %dma_start3A_123, %dma_start3A_124] : memref<2x8x80xi32, #tpu.memory_space<vmem>> -> memref<1x8x80xi32, #tpu.memory_space<vmem>>
          %dma_start3A_126 = tpu.memref_squeeze %dma_start3A_125 : memref<1x8x80xi32, #tpu.memory_space<vmem>> -> memref<8x80xi32, #tpu.memory_space<vmem>>
          %dma_start3A_127 = arith.constant 0 : i32
          %dma_start3A_128 = arith.constant 0 : i32
          %dma_start3A_129 = tpu.memref_slice %arg3[%add3A_107, %dma_start3A_127, %dma_start3A_128] : memref<4000x8x80xi32, #tpu.memory_space<hbm>> -> memref<1x8x80xi32, #tpu.memory_space<hbm>>
          %dma_start3A_130 = tpu.memref_squeeze %dma_start3A_129 : memref<1x8x80xi32, #tpu.memory_space<hbm>> -> memref<8x80xi32, #tpu.memory_space<hbm>>
          %dma_start3A_131 = arith.constant 0 : i32
          %dma_start3A_132 = arith.constant 0 : i32
          %dma_start3A_133 = tpu.memref_slice %arg7[%run_scoped3A_108, %dma_start3A_131, %dma_start3A_132] : memref<2x8x80xi32, #tpu.memory_space<vmem>> -> memref<1x8x80xi32, #tpu.memory_space<vmem>>
          %dma_start3A_134 = tpu.memref_squeeze %dma_start3A_133 : memref<1x8x80xi32, #tpu.memory_space<vmem>> -> memref<8x80xi32, #tpu.memory_space<vmem>>
          %dma_start3A_135 = arith.constant 0 : i32
          %dma_start3A_136 = arith.constant 0 : i32
          %dma_start3A_137 = tpu.memref_slice %arg3[%add3A_107, %dma_start3A_135, %dma_start3A_136] : memref<4000x8x80xi32, #tpu.memory_space<hbm>> -> memref<1x8x80xi32, #tpu.memory_space<hbm>>
          %dma_start3A_138 = tpu.memref_squeeze %dma_start3A_137 : memref<1x8x80xi32, #tpu.memory_space<hbm>> -> memref<8x80xi32, #tpu.memory_space<hbm>>
          tpu.enqueue_dma source(%dma_start3A_138 : memref<8x80xi32, #tpu.memory_space<hbm>>) target(%dma_start3A_134 : memref<8x80xi32, #tpu.memory_space<vmem>>) target_semaphore(%run_scoped3A_122 : memref<!tpu.dma_semaphore, #tpu.memory_space<semaphore_mem>>)
          %dma_wait3A_139 = arith.constant 0 : i32
          %dma_wait3A_140 = arith.constant 0 : i32
          %dma_wait3A_141 = tpu.memref_slice %arg7[%run_scoped3A_108, %dma_wait3A_139, %dma_wait3A_140] : memref<2x8x80xi32, #tpu.memory_space<vmem>> -> memref<1x8x80xi32, #tpu.memory_space<vmem>>
          %dma_wait3A_142 = tpu.memref_squeeze %dma_wait3A_141 : memref<1x8x80xi32, #tpu.memory_space<vmem>> -> memref<8x80xi32, #tpu.memory_space<vmem>>
          %dma_wait3A_143 = arith.constant 0 : i32
          %dma_wait3A_144 = arith.constant 0 : i32
          %dma_wait3A_145 = tpu.memref_slice %arg3[%add3A_107, %dma_wait3A_143, %dma_wait3A_144] : memref<4000x8x80xi32, #tpu.memory_space<hbm>> -> memref<1x8x80xi32, #tpu.memory_space<hbm>>
          %dma_wait3A_146 = tpu.memref_squeeze %dma_wait3A_145 : memref<1x8x80xi32, #tpu.memory_space<hbm>> -> memref<8x80xi32, #tpu.memory_space<hbm>>
          %dma_wait3A_147 = arith.constant 0 : i32
          %dma_wait3A_148 = arith.constant 0 : i32
          %dma_wait3A_149 = tpu.memref_slice %arg7[%run_scoped3A_108, %dma_wait3A_147, %dma_wait3A_148] : memref<2x8x80xi32, #tpu.memory_space<vmem>> -> memref<1x8x80xi32, #tpu.memory_space<vmem>>
          %dma_wait3A_150 = tpu.memref_squeeze %dma_wait3A_149 : memref<1x8x80xi32, #tpu.memory_space<vmem>> -> memref<8x80xi32, #tpu.memory_space<vmem>>
          %dma_wait3A_151 = arith.constant 0 : i32
          %dma_wait3A_152 = arith.constant 0 : i32
          %dma_wait3A_153 = tpu.memref_slice %arg3[%add3A_107, %dma_wait3A_151, %dma_wait3A_152] : memref<4000x8x80xi32, #tpu.memory_space<hbm>> -> memref<1x8x80xi32, #tpu.memory_space<hbm>>
          %dma_wait3A_154 = tpu.memref_squeeze %dma_wait3A_153 : memref<1x8x80xi32, #tpu.memory_space<hbm>> -> memref<8x80xi32, #tpu.memory_space<hbm>>
          tpu.wait_dma2 semaphore(%run_scoped3A_122 : memref<!tpu.dma_semaphore, #tpu.memory_space<semaphore_mem>>) src(%dma_wait3A_154 : memref<8x80xi32, #tpu.memory_space<hbm>>) dst(%dma_wait3A_150 : memref<8x80xi32, #tpu.memory_space<vmem>>)
          tpu.yield
        }) : () -> ()
        %dma_start3A_109 = arith.constant 0 : i32
        %dma_start3A_110 = arith.constant 0 : i32
        %dma_start3A_111 = arith.constant 0 : i32
        %dma_start3A_112 = arith.constant 0 : i32
        %dma_start3A_113 = arith.constant 0 : i32
        %dma_start3A_114 = tpu.memref_slice %arg8[%dma_start3A_111, %dma_start3A_112, %dma_start3A_113] : memref<2x80x128xf32, #tpu.memory_space<vmem>> -> memref<1x80x128xf32, #tpu.memory_space<vmem>>
        %dma_start3A_115 = tpu.memref_squeeze %dma_start3A_114 : memref<1x80x128xf32, #tpu.memory_space<vmem>> -> memref<80x128xf32, #tpu.memory_space<vmem>>
        %dma_start3A_116 = arith.constant 0 : i32
        %dma_start3A_117 = tpu.memref_slice %arg7[%dma_start3A_109, %dma_start3A_110, %dma_start3A_116] : memref<2x8x80xi32, #tpu.memory_space<vmem>> -> memref<1x1x80xi32, #tpu.memory_space<vmem>>
        %dma_start3A_118 = tpu.memref_squeeze %dma_start3A_117 : memref<1x1x80xi32, #tpu.memory_space<vmem>> -> memref<80xi32, #tpu.memory_space<vmem>>
        %dma_start3A_119 = arith.constant 0 : i32
        %dma_start3A_120 = arith.constant 0 : i32
        %dma_start3A_121 = tpu.memref_slice %arg2[%dma_start3A_119, %dma_start3A_120] : memref<10000x128xf32, #tpu.memory_space<hbm>> -> memref<10000x128xf32, #tpu.memory_space<hbm>>
        tpu.enqueue_indirect_dma source(%dma_start3A_121 : memref<10000x128xf32, #tpu.memory_space<hbm>>) target(%dma_start3A_115 : memref<80x128xf32, #tpu.memory_space<vmem>>) offsets(%dma_start3A_118 : memref<80xi32, #tpu.memory_space<vmem>>) semaphore(%arg9 : memref<!tpu.dma_semaphore, #tpu.memory_space<semaphore_mem>>)
      } else {
      }
      %dma_wait3A_82 = arith.constant 1 : i32
      %dma_wait3A_83 = arith.constant 0 : i32
      %dma_wait3A_84 = arith.constant 1 : i32
      %dma_wait3A_85 = arith.constant 0 : i32
      %dma_wait3A_86 = arith.constant 0 : i32
      %dma_wait3A_87 = tpu.memref_slice %arg8[%dma_wait3A_84, %dma_wait3A_85, %dma_wait3A_86] : memref<2x80x128xf32, #tpu.memory_space<vmem>> -> memref<1x80x128xf32, #tpu.memory_space<vmem>>
      %dma_wait3A_88 = tpu.memref_squeeze %dma_wait3A_87 : memref<1x80x128xf32, #tpu.memory_space<vmem>> -> memref<80x128xf32, #tpu.memory_space<vmem>>
      %dma_wait3A_89 = arith.constant 0 : i32
      %dma_wait3A_90 = tpu.memref_slice %arg7[%dma_wait3A_82, %dma_wait3A_83, %dma_wait3A_89] : memref<2x8x80xi32, #tpu.memory_space<vmem>> -> memref<1x1x80xi32, #tpu.memory_space<vmem>>
      %dma_wait3A_91 = tpu.memref_squeeze %dma_wait3A_90 : memref<1x1x80xi32, #tpu.memory_space<vmem>> -> memref<80xi32, #tpu.memory_space<vmem>>
      %dma_wait3A_92 = arith.constant 0 : i32
      %dma_wait3A_93 = arith.constant 0 : i32
      %dma_wait3A_94 = tpu.memref_slice %arg2[%dma_wait3A_92, %dma_wait3A_93] : memref<10000x128xf32, #tpu.memory_space<hbm>> -> memref<10000x128xf32, #tpu.memory_space<hbm>>
      tpu.wait_indirect_dma semaphore(%arg10 : memref<!tpu.dma_semaphore, #tpu.memory_space<semaphore_mem>>) src(%dma_wait3A_94 : memref<10000x128xf32, #tpu.memory_space<hbm>>) dst(%dma_wait3A_88 : memref<80x128xf32, #tpu.memory_space<vmem>>)
      %run_scoped3A_95 = arith.constant 1 : i32
      %run_scoped3A_96 = arith.constant 1 : i32
      %run_scoped3A_97 = arith.constant 1 : i32
      "tpu.region"() ({
        %run_scoped3A_105 = tpu.sem_alloc : memref<!tpu.dma_semaphore, #tpu.memory_space<semaphore_mem>>
        %dma_start3A_106 = arith.constant 0 : i32
        %dma_start3A_107 = arith.constant 0 : i32
        %dma_start3A_108 = tpu.memref_slice %arg8[%run_scoped3A_95, %dma_start3A_106, %dma_start3A_107] : memref<2x80x128xf32, #tpu.memory_space<vmem>> -> memref<1x80x128xf32, #tpu.memory_space<vmem>>
        %dma_start3A_109 = tpu.memref_squeeze %dma_start3A_108 : memref<1x80x128xf32, #tpu.memory_space<vmem>> -> memref<80x128xf32, #tpu.memory_space<vmem>>
        %dma_start3A_110 = arith.constant 0 : i32
        %dma_start3A_111 = tpu.memref_slice %arg7[%run_scoped3A_96, %run_scoped3A_97, %dma_start3A_110] : memref<2x8x80xi32, #tpu.memory_space<vmem>> -> memref<1x1x80xi32, #tpu.memory_space<vmem>>
        %dma_start3A_112 = tpu.memref_squeeze %dma_start3A_111 : memref<1x1x80xi32, #tpu.memory_space<vmem>> -> memref<80xi32, #tpu.memory_space<vmem>>
        %dma_start3A_113 = arith.constant 0 : i32
        %dma_start3A_114 = arith.constant 0 : i32
        %dma_start3A_115 = tpu.memref_slice %arg6[%dma_start3A_113, %dma_start3A_114] : memref<10112x128xf32, #tpu.memory_space<vmem_shared>> -> memref<10112x128xf32, #tpu.memory_space<vmem_shared>>
        tpu.enqueue_indirect_dma source(%dma_start3A_109 : memref<80x128xf32, #tpu.memory_space<vmem>>) target(%dma_start3A_115 : memref<10112x128xf32, #tpu.memory_space<vmem_shared>>) offsets(%dma_start3A_112 : memref<80xi32, #tpu.memory_space<vmem>>) semaphore(%run_scoped3A_105 : memref<!tpu.dma_semaphore, #tpu.memory_space<semaphore_mem>>) {add = true}
        %dma_wait3A_116 = arith.constant 0 : i32
        %dma_wait3A_117 = arith.constant 0 : i32
        %dma_wait3A_118 = tpu.memref_slice %arg8[%run_scoped3A_95, %dma_wait3A_116, %dma_wait3A_117] : memref<2x80x128xf32, #tpu.memory_space<vmem>> -> memref<1x80x128xf32, #tpu.memory_space<vmem>>
        %dma_wait3A_119 = tpu.memref_squeeze %dma_wait3A_118 : memref<1x80x128xf32, #tpu.memory_space<vmem>> -> memref<80x128xf32, #tpu.memory_space<vmem>>
        %dma_wait3A_120 = arith.constant 0 : i32
        %dma_wait3A_121 = tpu.memref_slice %arg7[%run_scoped3A_96, %run_scoped3A_97, %dma_wait3A_120] : memref<2x8x80xi32, #tpu.memory_space<vmem>> -> memref<1x1x80xi32, #tpu.memory_space<vmem>>
        %dma_wait3A_122 = tpu.memref_squeeze %dma_wait3A_121 : memref<1x1x80xi32, #tpu.memory_space<vmem>> -> memref<80xi32, #tpu.memory_space<vmem>>
        %dma_wait3A_123 = arith.constant 0 : i32
        %dma_wait3A_124 = arith.constant 0 : i32
        %dma_wait3A_125 = tpu.memref_slice %arg6[%dma_wait3A_123, %dma_wait3A_124] : memref<10112x128xf32, #tpu.memory_space<vmem_shared>> -> memref<10112x128xf32, #tpu.memory_space<vmem_shared>>
        tpu.wait_indirect_dma semaphore(%run_scoped3A_105 : memref<!tpu.dma_semaphore, #tpu.memory_space<semaphore_mem>>) src(%dma_wait3A_119 : memref<80x128xf32, #tpu.memory_space<vmem>>) dst(%dma_wait3A_125 : memref<10112x128xf32, #tpu.memory_space<vmem_shared>>)
        tpu.yield
      }) : () -> ()
      %add3A_98 = arith.constant 3 : i32
      %add3A_99 = arith.addi %mul3A_61, %add3A_98 : i32
      %lt3A_100 = arith.constant 125 : i32
      %lt3A_101 = arith.cmpi slt, %add3A_99, %lt3A_100 : i32
      %convert_element_type3A_102 = arith.extui %lt3A_101 : i1 to i32
      %cond3A_103 = arith.constant 0 : i32
      %cond3A_104 = arith.cmpi ne, %convert_element_type3A_102, %cond3A_103 : i32
      scf.if %cond3A_104 {
        %add3A_105 = arith.constant 3 : i32
        %add3A_106 = arith.addi %mul3A_61, %add3A_105 : i32
        %add3A_107 = arith.addi %mul3A_4, %add3A_106 : i32
        %run_scoped3A_108 = arith.constant 1 : i32
        "tpu.region"() ({
          %run_scoped3A_122 = tpu.sem_alloc : memref<!tpu.dma_semaphore, #tpu.memory_space<semaphore_mem>>
          %dma_start3A_123 = arith.constant 0 : i32
          %dma_start3A_124 = arith.constant 0 : i32
          %dma_start3A_125 = tpu.memref_slice %arg7[%run_scoped3A_108, %dma_start3A_123, %dma_start3A_124] : memref<2x8x80xi32, #tpu.memory_space<vmem>> -> memref<1x8x80xi32, #tpu.memory_space<vmem>>
          %dma_start3A_126 = tpu.memref_squeeze %dma_start3A_125 : memref<1x8x80xi32, #tpu.memory_space<vmem>> -> memref<8x80xi32, #tpu.memory_space<vmem>>
          %dma_start3A_127 = arith.constant 0 : i32
          %dma_start3A_128 = arith.constant 0 : i32
          %dma_start3A_129 = tpu.memref_slice %arg3[%add3A_107, %dma_start3A_127, %dma_start3A_128] : memref<4000x8x80xi32, #tpu.memory_space<hbm>> -> memref<1x8x80xi32, #tpu.memory_space<hbm>>
          %dma_start3A_130 = tpu.memref_squeeze %dma_start3A_129 : memref<1x8x80xi32, #tpu.memory_space<hbm>> -> memref<8x80xi32, #tpu.memory_space<hbm>>
          %dma_start3A_131 = arith.constant 0 : i32
          %dma_start3A_132 = arith.constant 0 : i32
          %dma_start3A_133 = tpu.memref_slice %arg7[%run_scoped3A_108, %dma_start3A_131, %dma_start3A_132] : memref<2x8x80xi32, #tpu.memory_space<vmem>> -> memref<1x8x80xi32, #tpu.memory_space<vmem>>
          %dma_start3A_134 = tpu.memref_squeeze %dma_start3A_133 : memref<1x8x80xi32, #tpu.memory_space<vmem>> -> memref<8x80xi32, #tpu.memory_space<vmem>>
          %dma_start3A_135 = arith.constant 0 : i32
          %dma_start3A_136 = arith.constant 0 : i32
          %dma_start3A_137 = tpu.memref_slice %arg3[%add3A_107, %dma_start3A_135, %dma_start3A_136] : memref<4000x8x80xi32, #tpu.memory_space<hbm>> -> memref<1x8x80xi32, #tpu.memory_space<hbm>>
          %dma_start3A_138 = tpu.memref_squeeze %dma_start3A_137 : memref<1x8x80xi32, #tpu.memory_space<hbm>> -> memref<8x80xi32, #tpu.memory_space<hbm>>
          tpu.enqueue_dma source(%dma_start3A_138 : memref<8x80xi32, #tpu.memory_space<hbm>>) target(%dma_start3A_134 : memref<8x80xi32, #tpu.memory_space<vmem>>) target_semaphore(%run_scoped3A_122 : memref<!tpu.dma_semaphore, #tpu.memory_space<semaphore_mem>>)
          %dma_wait3A_139 = arith.constant 0 : i32
          %dma_wait3A_140 = arith.constant 0 : i32
          %dma_wait3A_141 = tpu.memref_slice %arg7[%run_scoped3A_108, %dma_wait3A_139, %dma_wait3A_140] : memref<2x8x80xi32, #tpu.memory_space<vmem>> -> memref<1x8x80xi32, #tpu.memory_space<vmem>>
          %dma_wait3A_142 = tpu.memref_squeeze %dma_wait3A_141 : memref<1x8x80xi32, #tpu.memory_space<vmem>> -> memref<8x80xi32, #tpu.memory_space<vmem>>
          %dma_wait3A_143 = arith.constant 0 : i32
          %dma_wait3A_144 = arith.constant 0 : i32
          %dma_wait3A_145 = tpu.memref_slice %arg3[%add3A_107, %dma_wait3A_143, %dma_wait3A_144] : memref<4000x8x80xi32, #tpu.memory_space<hbm>> -> memref<1x8x80xi32, #tpu.memory_space<hbm>>
          %dma_wait3A_146 = tpu.memref_squeeze %dma_wait3A_145 : memref<1x8x80xi32, #tpu.memory_space<hbm>> -> memref<8x80xi32, #tpu.memory_space<hbm>>
          %dma_wait3A_147 = arith.constant 0 : i32
          %dma_wait3A_148 = arith.constant 0 : i32
          %dma_wait3A_149 = tpu.memref_slice %arg7[%run_scoped3A_108, %dma_wait3A_147, %dma_wait3A_148] : memref<2x8x80xi32, #tpu.memory_space<vmem>> -> memref<1x8x80xi32, #tpu.memory_space<vmem>>
          %dma_wait3A_150 = tpu.memref_squeeze %dma_wait3A_149 : memref<1x8x80xi32, #tpu.memory_space<vmem>> -> memref<8x80xi32, #tpu.memory_space<vmem>>
          %dma_wait3A_151 = arith.constant 0 : i32
          %dma_wait3A_152 = arith.constant 0 : i32
          %dma_wait3A_153 = tpu.memref_slice %arg3[%add3A_107, %dma_wait3A_151, %dma_wait3A_152] : memref<4000x8x80xi32, #tpu.memory_space<hbm>> -> memref<1x8x80xi32, #tpu.memory_space<hbm>>
          %dma_wait3A_154 = tpu.memref_squeeze %dma_wait3A_153 : memref<1x8x80xi32, #tpu.memory_space<hbm>> -> memref<8x80xi32, #tpu.memory_space<hbm>>
          tpu.wait_dma2 semaphore(%run_scoped3A_122 : memref<!tpu.dma_semaphore, #tpu.memory_space<semaphore_mem>>) src(%dma_wait3A_154 : memref<8x80xi32, #tpu.memory_space<hbm>>) dst(%dma_wait3A_150 : memref<8x80xi32, #tpu.memory_space<vmem>>)
          tpu.yield
        }) : () -> ()
        %dma_start3A_109 = arith.constant 1 : i32
        %dma_start3A_110 = arith.constant 0 : i32
        %dma_start3A_111 = arith.constant 1 : i32
        %dma_start3A_112 = arith.constant 0 : i32
        %dma_start3A_113 = arith.constant 0 : i32
        %dma_start3A_114 = tpu.memref_slice %arg8[%dma_start3A_111, %dma_start3A_112, %dma_start3A_113] : memref<2x80x128xf32, #tpu.memory_space<vmem>> -> memref<1x80x128xf32, #tpu.memory_space<vmem>>
        %dma_start3A_115 = tpu.memref_squeeze %dma_start3A_114 : memref<1x80x128xf32, #tpu.memory_space<vmem>> -> memref<80x128xf32, #tpu.memory_space<vmem>>
        %dma_start3A_116 = arith.constant 0 : i32
        %dma_start3A_117 = tpu.memref_slice %arg7[%dma_start3A_109, %dma_start3A_110, %dma_start3A_116] : memref<2x8x80xi32, #tpu.memory_space<vmem>> -> memref<1x1x80xi32, #tpu.memory_space<vmem>>
        %dma_start3A_118 = tpu.memref_squeeze %dma_start3A_117 : memref<1x1x80xi32, #tpu.memory_space<vmem>> -> memref<80xi32, #tpu.memory_space<vmem>>
        %dma_start3A_119 = arith.constant 0 : i32
        %dma_start3A_120 = arith.constant 0 : i32
        %dma_start3A_121 = tpu.memref_slice %arg2[%dma_start3A_119, %dma_start3A_120] : memref<10000x128xf32, #tpu.memory_space<hbm>> -> memref<10000x128xf32, #tpu.memory_space<hbm>>
        tpu.enqueue_indirect_dma source(%dma_start3A_121 : memref<10000x128xf32, #tpu.memory_space<hbm>>) target(%dma_start3A_115 : memref<80x128xf32, #tpu.memory_space<vmem>>) offsets(%dma_start3A_118 : memref<80xi32, #tpu.memory_space<vmem>>) semaphore(%arg10 : memref<!tpu.dma_semaphore, #tpu.memory_space<semaphore_mem>>)
      } else {
      }
    }
    %scan3A_39 = arith.constant 62 : i32
    %dma_wait3A = arith.constant 0 : i32
    %dma_wait3A_40 = arith.constant 0 : i32
    %dma_wait3A_41 = arith.constant 0 : i32
    %dma_wait3A_42 = arith.constant 0 : i32
    %dma_wait3A_43 = arith.constant 0 : i32
    %dma_wait3A_44 = tpu.memref_slice %arg8[%dma_wait3A_41, %dma_wait3A_42, %dma_wait3A_43] : memref<2x80x128xf32, #tpu.memory_space<vmem>> -> memref<1x80x128xf32, #tpu.memory_space<vmem>>
    %dma_wait3A_45 = tpu.memref_squeeze %dma_wait3A_44 : memref<1x80x128xf32, #tpu.memory_space<vmem>> -> memref<80x128xf32, #tpu.memory_space<vmem>>
    %dma_wait3A_46 = arith.constant 0 : i32
    %dma_wait3A_47 = tpu.memref_slice %arg7[%dma_wait3A, %dma_wait3A_40, %dma_wait3A_46] : memref<2x8x80xi32, #tpu.memory_space<vmem>> -> memref<1x1x80xi32, #tpu.memory_space<vmem>>
    %dma_wait3A_48 = tpu.memref_squeeze %dma_wait3A_47 : memref<1x1x80xi32, #tpu.memory_space<vmem>> -> memref<80xi32, #tpu.memory_space<vmem>>
    %dma_wait3A_49 = arith.constant 0 : i32
    %dma_wait3A_50 = arith.constant 0 : i32
    %dma_wait3A_51 = tpu.memref_slice %arg2[%dma_wait3A_49, %dma_wait3A_50] : memref<10000x128xf32, #tpu.memory_space<hbm>> -> memref<10000x128xf32, #tpu.memory_space<hbm>>
    tpu.wait_indirect_dma semaphore(%arg9 : memref<!tpu.dma_semaphore, #tpu.memory_space<semaphore_mem>>) src(%dma_wait3A_51 : memref<10000x128xf32, #tpu.memory_space<hbm>>) dst(%dma_wait3A_45 : memref<80x128xf32, #tpu.memory_space<vmem>>)
    %run_scoped3A_52 = arith.constant 0 : i32
    %run_scoped3A_53 = arith.constant 0 : i32
    %run_scoped3A_54 = arith.constant 1 : i32
    "tpu.region"() ({
      %run_scoped3A_59 = tpu.sem_alloc : memref<!tpu.dma_semaphore, #tpu.memory_space<semaphore_mem>>
      %dma_start3A_60 = arith.constant 0 : i32
      %dma_start3A_61 = arith.constant 0 : i32
      %dma_start3A_62 = tpu.memref_slice %arg8[%run_scoped3A_52, %dma_start3A_60, %dma_start3A_61] : memref<2x80x128xf32, #tpu.memory_space<vmem>> -> memref<1x80x128xf32, #tpu.memory_space<vmem>>
      %dma_start3A_63 = tpu.memref_squeeze %dma_start3A_62 : memref<1x80x128xf32, #tpu.memory_space<vmem>> -> memref<80x128xf32, #tpu.memory_space<vmem>>
      %dma_start3A_64 = arith.constant 0 : i32
      %dma_start3A_65 = tpu.memref_slice %arg7[%run_scoped3A_53, %run_scoped3A_54, %dma_start3A_64] : memref<2x8x80xi32, #tpu.memory_space<vmem>> -> memref<1x1x80xi32, #tpu.memory_space<vmem>>
      %dma_start3A_66 = tpu.memref_squeeze %dma_start3A_65 : memref<1x1x80xi32, #tpu.memory_space<vmem>> -> memref<80xi32, #tpu.memory_space<vmem>>
      %dma_start3A_67 = arith.constant 0 : i32
      %dma_start3A_68 = arith.constant 0 : i32
      %dma_start3A_69 = tpu.memref_slice %arg6[%dma_start3A_67, %dma_start3A_68] : memref<10112x128xf32, #tpu.memory_space<vmem_shared>> -> memref<10112x128xf32, #tpu.memory_space<vmem_shared>>
      tpu.enqueue_indirect_dma source(%dma_start3A_63 : memref<80x128xf32, #tpu.memory_space<vmem>>) target(%dma_start3A_69 : memref<10112x128xf32, #tpu.memory_space<vmem_shared>>) offsets(%dma_start3A_66 : memref<80xi32, #tpu.memory_space<vmem>>) semaphore(%run_scoped3A_59 : memref<!tpu.dma_semaphore, #tpu.memory_space<semaphore_mem>>) {add = true}
      %dma_wait3A_70 = arith.constant 0 : i32
      %dma_wait3A_71 = arith.constant 0 : i32
      %dma_wait3A_72 = tpu.memref_slice %arg8[%run_scoped3A_52, %dma_wait3A_70, %dma_wait3A_71] : memref<2x80x128xf32, #tpu.memory_space<vmem>> -> memref<1x80x128xf32, #tpu.memory_space<vmem>>
      %dma_wait3A_73 = tpu.memref_squeeze %dma_wait3A_72 : memref<1x80x128xf32, #tpu.memory_space<vmem>> -> memref<80x128xf32, #tpu.memory_space<vmem>>
      %dma_wait3A_74 = arith.constant 0 : i32
      %dma_wait3A_75 = tpu.memref_slice %arg7[%run_scoped3A_53, %run_scoped3A_54, %dma_wait3A_74] : memref<2x8x80xi32, #tpu.memory_space<vmem>> -> memref<1x1x80xi32, #tpu.memory_space<vmem>>
      %dma_wait3A_76 = tpu.memref_squeeze %dma_wait3A_75 : memref<1x1x80xi32, #tpu.memory_space<vmem>> -> memref<80xi32, #tpu.memory_space<vmem>>
      %dma_wait3A_77 = arith.constant 0 : i32
      %dma_wait3A_78 = arith.constant 0 : i32
      %dma_wait3A_79 = tpu.memref_slice %arg6[%dma_wait3A_77, %dma_wait3A_78] : memref<10112x128xf32, #tpu.memory_space<vmem_shared>> -> memref<10112x128xf32, #tpu.memory_space<vmem_shared>>
      tpu.wait_indirect_dma semaphore(%run_scoped3A_59 : memref<!tpu.dma_semaphore, #tpu.memory_space<semaphore_mem>>) src(%dma_wait3A_73 : memref<80x128xf32, #tpu.memory_space<vmem>>) dst(%dma_wait3A_79 : memref<10112x128xf32, #tpu.memory_space<vmem_shared>>)
      tpu.yield
    }) : () -> ()
    %barrier3A_55 = arith.constant 0 : index
    tpu.barrier barrier_id(%barrier3A_55)
    %mul3A_56 = arith.constant 10112 : i32
    %mul3A_57 = arith.muli %arg0, %mul3A_56 : i32
    %add3A_58 = arith.addi %mul3A_57, %mul3A_2 : i32
    "tpu.region"() ({
      %run_scoped3A_59 = tpu.sem_alloc : memref<!tpu.dma_semaphore, #tpu.memory_space<semaphore_mem>>
      %dma_start3A_60 = arith.constant 0 : i32
      %dma_start3A_61 = tpu.memref_slice %arg5[%add3A_58, %dma_start3A_60] : memref<20224x128xf32, #tpu.memory_space<hbm>> -> memref<632x128xf32, #tpu.memory_space<hbm>>
      %dma_start3A_62 = arith.constant 0 : i32
      %dma_start3A_63 = tpu.memref_slice %arg6[%mul3A_2, %dma_start3A_62] : memref<10112x128xf32, #tpu.memory_space<vmem_shared>> -> memref<632x128xf32, #tpu.memory_space<vmem_shared>>
      tpu.enqueue_dma source(%dma_start3A_63 : memref<632x128xf32, #tpu.memory_space<vmem_shared>>) target(%dma_start3A_61 : memref<632x128xf32, #tpu.memory_space<hbm>>) target_semaphore(%run_scoped3A_59 : memref<!tpu.dma_semaphore, #tpu.memory_space<semaphore_mem>>)
      %dma_wait3A_64 = arith.constant 0 : i32
      %dma_wait3A_65 = tpu.memref_slice %arg5[%add3A_58, %dma_wait3A_64] : memref<20224x128xf32, #tpu.memory_space<hbm>> -> memref<632x128xf32, #tpu.memory_space<hbm>>
      %dma_wait3A_66 = arith.constant 0 : i32
      %dma_wait3A_67 = tpu.memref_slice %arg6[%mul3A_2, %dma_wait3A_66] : memref<10112x128xf32, #tpu.memory_space<vmem_shared>> -> memref<632x128xf32, #tpu.memory_space<vmem_shared>>
      tpu.wait_dma2 semaphore(%run_scoped3A_59 : memref<!tpu.dma_semaphore, #tpu.memory_space<semaphore_mem>>) src(%dma_wait3A_67 : memref<632x128xf32, #tpu.memory_space<vmem_shared>>) dst(%dma_wait3A_65 : memref<632x128xf32, #tpu.memory_space<hbm>>)
      tpu.yield
    }) : () -> ()
    return
  }
}

#map = affine_map<(d0, d1) -> (0, 0)>
#map1 = affine_map<(d0, d1) -> (0, 0, 0)>
module attributes {stable_mosaic.version = 14 : i64} {
  func.func @sc_kernel(%arg0: i32, %arg1: i32, %arg2: memref<10000x128xf32, #tpu.memory_space<hbm>>, %arg3: memref<4000x8x80xi32, #tpu.memory_space<hbm>>, %arg4: memref<512x128xf32, #tpu.memory_space<hbm>>, %arg5: memref<11392x128xf32, #tpu.memory_space<hbm>>, %arg6: memref<22784x128xf32, #tpu.memory_space<hbm>>, %arg7: memref<11392x128xf32, #tpu.memory_space<vmem_shared>>, %arg8: memref<2x8x80xi32, #tpu.memory_space<vmem>>, %arg9: memref<2x80x128xf32, #tpu.memory_space<vmem>>, %arg10: memref<!tpu.dma_semaphore, #tpu.memory_space<semaphore_mem>>, %arg11: memref<!tpu.dma_semaphore, #tpu.memory_space<semaphore_mem>>) attributes {dimension_semantics = [#tpu.dimension_semantics<core_parallel>, #tpu.dimension_semantics<subcore_parallel>], iteration_bounds = array<i64: 2, 16>, scalar_prefetch = 0 : i64, scratch_operands = 5 : i64, tpu.core_type = #tpu.core_type<sc_vector_subcore>, window_params = [{transform_indices = #map}, {transform_indices = #map1}, {transform_indices = #map}, {transform_indices = #map}, {transform_indices = #map}]} {
    %mul3A = arith.constant 2 : i32
    %mul3A_0 = arith.muli %arg1, %mul3A : i32
    %add3A = arith.addi %mul3A_0, %arg0 : i32
    %mul3A_1 = arith.constant 712 : i32
    %mul3A_2 = arith.muli %arg1, %mul3A_1 : i32
    "tpu.region"() ({
      %run_scoped3A_113 = tpu.sem_alloc : memref<!tpu.dma_semaphore, #tpu.memory_space<semaphore_mem>>
      %dma_start3A_114 = arith.constant 0 : i32
      %dma_start3A_115 = tpu.memref_slice %arg7[%mul3A_2, %dma_start3A_114] : memref<11392x128xf32, #tpu.memory_space<vmem_shared>> -> memref<712x128xf32, #tpu.memory_space<vmem_shared>>
      %dma_start3A_116 = arith.constant 0 : i32
      %dma_start3A_117 = tpu.memref_slice %arg5[%mul3A_2, %dma_start3A_116] : memref<11392x128xf32, #tpu.memory_space<hbm>> -> memref<712x128xf32, #tpu.memory_space<hbm>>
      tpu.enqueue_dma source(%dma_start3A_117 : memref<712x128xf32, #tpu.memory_space<hbm>>) target(%dma_start3A_115 : memref<712x128xf32, #tpu.memory_space<vmem_shared>>) target_semaphore(%run_scoped3A_113 : memref<!tpu.dma_semaphore, #tpu.memory_space<semaphore_mem>>)
      %dma_wait3A_118 = arith.constant 0 : i32
      %dma_wait3A_119 = tpu.memref_slice %arg7[%mul3A_2, %dma_wait3A_118] : memref<11392x128xf32, #tpu.memory_space<vmem_shared>> -> memref<712x128xf32, #tpu.memory_space<vmem_shared>>
      %dma_wait3A_120 = arith.constant 0 : i32
      %dma_wait3A_121 = tpu.memref_slice %arg5[%mul3A_2, %dma_wait3A_120] : memref<11392x128xf32, #tpu.memory_space<hbm>> -> memref<712x128xf32, #tpu.memory_space<hbm>>
      tpu.wait_dma2 semaphore(%run_scoped3A_113 : memref<!tpu.dma_semaphore, #tpu.memory_space<semaphore_mem>>) src(%dma_wait3A_121 : memref<712x128xf32, #tpu.memory_space<hbm>>) dst(%dma_wait3A_119 : memref<712x128xf32, #tpu.memory_space<vmem_shared>>)
      tpu.yield
    }) : () -> ()
    %barrier3A = arith.constant 0 : index
    tpu.barrier barrier_id(%barrier3A)
    %mul3A_3 = arith.constant 125 : i32
    %mul3A_4 = arith.muli %add3A, %mul3A_3 : i32
    %add3A_5 = arith.constant 0 : i32
    %add3A_6 = arith.addi %mul3A_4, %add3A_5 : i32
    %run_scoped3A = arith.constant 0 : i32
    "tpu.region"() ({
      %run_scoped3A_113 = tpu.sem_alloc : memref<!tpu.dma_semaphore, #tpu.memory_space<semaphore_mem>>
      %dma_start3A_114 = arith.constant 0 : i32
      %dma_start3A_115 = arith.constant 0 : i32
      %dma_start3A_116 = tpu.memref_slice %arg8[%run_scoped3A, %dma_start3A_114, %dma_start3A_115] : memref<2x8x80xi32, #tpu.memory_space<vmem>> -> memref<1x8x80xi32, #tpu.memory_space<vmem>>
      %dma_start3A_117 = tpu.memref_squeeze %dma_start3A_116 : memref<1x8x80xi32, #tpu.memory_space<vmem>> -> memref<8x80xi32, #tpu.memory_space<vmem>>
      %dma_start3A_118 = arith.constant 0 : i32
      %dma_start3A_119 = arith.constant 0 : i32
      %dma_start3A_120 = tpu.memref_slice %arg3[%add3A_6, %dma_start3A_118, %dma_start3A_119] : memref<4000x8x80xi32, #tpu.memory_space<hbm>> -> memref<1x8x80xi32, #tpu.memory_space<hbm>>
      %dma_start3A_121 = tpu.memref_squeeze %dma_start3A_120 : memref<1x8x80xi32, #tpu.memory_space<hbm>> -> memref<8x80xi32, #tpu.memory_space<hbm>>
      %dma_start3A_122 = arith.constant 0 : i32
      %dma_start3A_123 = arith.constant 0 : i32
      %dma_start3A_124 = tpu.memref_slice %arg8[%run_scoped3A, %dma_start3A_122, %dma_start3A_123] : memref<2x8x80xi32, #tpu.memory_space<vmem>> -> memref<1x8x80xi32, #tpu.memory_space<vmem>>
      %dma_start3A_125 = tpu.memref_squeeze %dma_start3A_124 : memref<1x8x80xi32, #tpu.memory_space<vmem>> -> memref<8x80xi32, #tpu.memory_space<vmem>>
      %dma_start3A_126 = arith.constant 0 : i32
      %dma_start3A_127 = arith.constant 0 : i32
      %dma_start3A_128 = tpu.memref_slice %arg3[%add3A_6, %dma_start3A_126, %dma_start3A_127] : memref<4000x8x80xi32, #tpu.memory_space<hbm>> -> memref<1x8x80xi32, #tpu.memory_space<hbm>>
      %dma_start3A_129 = tpu.memref_squeeze %dma_start3A_128 : memref<1x8x80xi32, #tpu.memory_space<hbm>> -> memref<8x80xi32, #tpu.memory_space<hbm>>
      tpu.enqueue_dma source(%dma_start3A_129 : memref<8x80xi32, #tpu.memory_space<hbm>>) target(%dma_start3A_125 : memref<8x80xi32, #tpu.memory_space<vmem>>) target_semaphore(%run_scoped3A_113 : memref<!tpu.dma_semaphore, #tpu.memory_space<semaphore_mem>>)
      %dma_wait3A_130 = arith.constant 0 : i32
      %dma_wait3A_131 = arith.constant 0 : i32
      %dma_wait3A_132 = tpu.memref_slice %arg8[%run_scoped3A, %dma_wait3A_130, %dma_wait3A_131] : memref<2x8x80xi32, #tpu.memory_space<vmem>> -> memref<1x8x80xi32, #tpu.memory_space<vmem>>
      %dma_wait3A_133 = tpu.memref_squeeze %dma_wait3A_132 : memref<1x8x80xi32, #tpu.memory_space<vmem>> -> memref<8x80xi32, #tpu.memory_space<vmem>>
      %dma_wait3A_134 = arith.constant 0 : i32
      %dma_wait3A_135 = arith.constant 0 : i32
      %dma_wait3A_136 = tpu.memref_slice %arg3[%add3A_6, %dma_wait3A_134, %dma_wait3A_135] : memref<4000x8x80xi32, #tpu.memory_space<hbm>> -> memref<1x8x80xi32, #tpu.memory_space<hbm>>
      %dma_wait3A_137 = tpu.memref_squeeze %dma_wait3A_136 : memref<1x8x80xi32, #tpu.memory_space<hbm>> -> memref<8x80xi32, #tpu.memory_space<hbm>>
      %dma_wait3A_138 = arith.constant 0 : i32
      %dma_wait3A_139 = arith.constant 0 : i32
      %dma_wait3A_140 = tpu.memref_slice %arg8[%run_scoped3A, %dma_wait3A_138, %dma_wait3A_139] : memref<2x8x80xi32, #tpu.memory_space<vmem>> -> memref<1x8x80xi32, #tpu.memory_space<vmem>>
      %dma_wait3A_141 = tpu.memref_squeeze %dma_wait3A_140 : memref<1x8x80xi32, #tpu.memory_space<vmem>> -> memref<8x80xi32, #tpu.memory_space<vmem>>
      %dma_wait3A_142 = arith.constant 0 : i32
      %dma_wait3A_143 = arith.constant 0 : i32
      %dma_wait3A_144 = tpu.memref_slice %arg3[%add3A_6, %dma_wait3A_142, %dma_wait3A_143] : memref<4000x8x80xi32, #tpu.memory_space<hbm>> -> memref<1x8x80xi32, #tpu.memory_space<hbm>>
      %dma_wait3A_145 = tpu.memref_squeeze %dma_wait3A_144 : memref<1x8x80xi32, #tpu.memory_space<hbm>> -> memref<8x80xi32, #tpu.memory_space<hbm>>
      tpu.wait_dma2 semaphore(%run_scoped3A_113 : memref<!tpu.dma_semaphore, #tpu.memory_space<semaphore_mem>>) src(%dma_wait3A_145 : memref<8x80xi32, #tpu.memory_space<hbm>>) dst(%dma_wait3A_141 : memref<8x80xi32, #tpu.memory_space<vmem>>)
      tpu.yield
    }) : () -> ()
    %dma_start3A = arith.constant 0 : i32
    %dma_start3A_7 = arith.constant 0 : i32
    %dma_start3A_8 = arith.constant 0 : i32
    %dma_start3A_9 = arith.constant 0 : i32
    %dma_start3A_10 = arith.constant 0 : i32
    %dma_start3A_11 = tpu.memref_slice %arg9[%dma_start3A_8, %dma_start3A_9, %dma_start3A_10] : memref<2x80x128xf32, #tpu.memory_space<vmem>> -> memref<1x80x128xf32, #tpu.memory_space<vmem>>
    %dma_start3A_12 = tpu.memref_squeeze %dma_start3A_11 : memref<1x80x128xf32, #tpu.memory_space<vmem>> -> memref<80x128xf32, #tpu.memory_space<vmem>>
    %dma_start3A_13 = arith.constant 0 : i32
    %dma_start3A_14 = tpu.memref_slice %arg8[%dma_start3A, %dma_start3A_7, %dma_start3A_13] : memref<2x8x80xi32, #tpu.memory_space<vmem>> -> memref<1x1x80xi32, #tpu.memory_space<vmem>>
    %dma_start3A_15 = tpu.memref_squeeze %dma_start3A_14 : memref<1x1x80xi32, #tpu.memory_space<vmem>> -> memref<80xi32, #tpu.memory_space<vmem>>
    %dma_start3A_16 = arith.constant 0 : i32
    %dma_start3A_17 = arith.constant 0 : i32
    %dma_start3A_18 = tpu.memref_slice %arg2[%dma_start3A_16, %dma_start3A_17] : memref<10000x128xf32, #tpu.memory_space<hbm>> -> memref<10000x128xf32, #tpu.memory_space<hbm>>
    tpu.enqueue_indirect_dma source(%dma_start3A_18 : memref<10000x128xf32, #tpu.memory_space<hbm>>) target(%dma_start3A_12 : memref<80x128xf32, #tpu.memory_space<vmem>>) offsets(%dma_start3A_15 : memref<80xi32, #tpu.memory_space<vmem>>) semaphore(%arg10 : memref<!tpu.dma_semaphore, #tpu.memory_space<semaphore_mem>>)
    %add3A_19 = arith.constant 1 : i32
    %add3A_20 = arith.addi %mul3A_4, %add3A_19 : i32
    %run_scoped3A_21 = arith.constant 1 : i32
    "tpu.region"() ({
      %run_scoped3A_113 = tpu.sem_alloc : memref<!tpu.dma_semaphore, #tpu.memory_space<semaphore_mem>>
      %dma_start3A_114 = arith.constant 0 : i32
      %dma_start3A_115 = arith.constant 0 : i32
      %dma_start3A_116 = tpu.memref_slice %arg8[%run_scoped3A_21, %dma_start3A_114, %dma_start3A_115] : memref<2x8x80xi32, #tpu.memory_space<vmem>> -> memref<1x8x80xi32, #tpu.memory_space<vmem>>
      %dma_start3A_117 = tpu.memref_squeeze %dma_start3A_116 : memref<1x8x80xi32, #tpu.memory_space<vmem>> -> memref<8x80xi32, #tpu.memory_space<vmem>>
      %dma_start3A_118 = arith.constant 0 : i32
      %dma_start3A_119 = arith.constant 0 : i32
      %dma_start3A_120 = tpu.memref_slice %arg3[%add3A_20, %dma_start3A_118, %dma_start3A_119] : memref<4000x8x80xi32, #tpu.memory_space<hbm>> -> memref<1x8x80xi32, #tpu.memory_space<hbm>>
      %dma_start3A_121 = tpu.memref_squeeze %dma_start3A_120 : memref<1x8x80xi32, #tpu.memory_space<hbm>> -> memref<8x80xi32, #tpu.memory_space<hbm>>
      %dma_start3A_122 = arith.constant 0 : i32
      %dma_start3A_123 = arith.constant 0 : i32
      %dma_start3A_124 = tpu.memref_slice %arg8[%run_scoped3A_21, %dma_start3A_122, %dma_start3A_123] : memref<2x8x80xi32, #tpu.memory_space<vmem>> -> memref<1x8x80xi32, #tpu.memory_space<vmem>>
      %dma_start3A_125 = tpu.memref_squeeze %dma_start3A_124 : memref<1x8x80xi32, #tpu.memory_space<vmem>> -> memref<8x80xi32, #tpu.memory_space<vmem>>
      %dma_start3A_126 = arith.constant 0 : i32
      %dma_start3A_127 = arith.constant 0 : i32
      %dma_start3A_128 = tpu.memref_slice %arg3[%add3A_20, %dma_start3A_126, %dma_start3A_127] : memref<4000x8x80xi32, #tpu.memory_space<hbm>> -> memref<1x8x80xi32, #tpu.memory_space<hbm>>
      %dma_start3A_129 = tpu.memref_squeeze %dma_start3A_128 : memref<1x8x80xi32, #tpu.memory_space<hbm>> -> memref<8x80xi32, #tpu.memory_space<hbm>>
      tpu.enqueue_dma source(%dma_start3A_129 : memref<8x80xi32, #tpu.memory_space<hbm>>) target(%dma_start3A_125 : memref<8x80xi32, #tpu.memory_space<vmem>>) target_semaphore(%run_scoped3A_113 : memref<!tpu.dma_semaphore, #tpu.memory_space<semaphore_mem>>)
      %dma_wait3A_130 = arith.constant 0 : i32
      %dma_wait3A_131 = arith.constant 0 : i32
      %dma_wait3A_132 = tpu.memref_slice %arg8[%run_scoped3A_21, %dma_wait3A_130, %dma_wait3A_131] : memref<2x8x80xi32, #tpu.memory_space<vmem>> -> memref<1x8x80xi32, #tpu.memory_space<vmem>>
      %dma_wait3A_133 = tpu.memref_squeeze %dma_wait3A_132 : memref<1x8x80xi32, #tpu.memory_space<vmem>> -> memref<8x80xi32, #tpu.memory_space<vmem>>
      %dma_wait3A_134 = arith.constant 0 : i32
      %dma_wait3A_135 = arith.constant 0 : i32
      %dma_wait3A_136 = tpu.memref_slice %arg3[%add3A_20, %dma_wait3A_134, %dma_wait3A_135] : memref<4000x8x80xi32, #tpu.memory_space<hbm>> -> memref<1x8x80xi32, #tpu.memory_space<hbm>>
      %dma_wait3A_137 = tpu.memref_squeeze %dma_wait3A_136 : memref<1x8x80xi32, #tpu.memory_space<hbm>> -> memref<8x80xi32, #tpu.memory_space<hbm>>
      %dma_wait3A_138 = arith.constant 0 : i32
      %dma_wait3A_139 = arith.constant 0 : i32
      %dma_wait3A_140 = tpu.memref_slice %arg8[%run_scoped3A_21, %dma_wait3A_138, %dma_wait3A_139] : memref<2x8x80xi32, #tpu.memory_space<vmem>> -> memref<1x8x80xi32, #tpu.memory_space<vmem>>
      %dma_wait3A_141 = tpu.memref_squeeze %dma_wait3A_140 : memref<1x8x80xi32, #tpu.memory_space<vmem>> -> memref<8x80xi32, #tpu.memory_space<vmem>>
      %dma_wait3A_142 = arith.constant 0 : i32
      %dma_wait3A_143 = arith.constant 0 : i32
      %dma_wait3A_144 = tpu.memref_slice %arg3[%add3A_20, %dma_wait3A_142, %dma_wait3A_143] : memref<4000x8x80xi32, #tpu.memory_space<hbm>> -> memref<1x8x80xi32, #tpu.memory_space<hbm>>
      %dma_wait3A_145 = tpu.memref_squeeze %dma_wait3A_144 : memref<1x8x80xi32, #tpu.memory_space<hbm>> -> memref<8x80xi32, #tpu.memory_space<hbm>>
      tpu.wait_dma2 semaphore(%run_scoped3A_113 : memref<!tpu.dma_semaphore, #tpu.memory_space<semaphore_mem>>) src(%dma_wait3A_145 : memref<8x80xi32, #tpu.memory_space<hbm>>) dst(%dma_wait3A_141 : memref<8x80xi32, #tpu.memory_space<vmem>>)
      tpu.yield
    }) : () -> ()
    %dma_start3A_22 = arith.constant 1 : i32
    %dma_start3A_23 = arith.constant 0 : i32
    %dma_start3A_24 = arith.constant 1 : i32
    %dma_start3A_25 = arith.constant 0 : i32
    %dma_start3A_26 = arith.constant 0 : i32
    %dma_start3A_27 = tpu.memref_slice %arg9[%dma_start3A_24, %dma_start3A_25, %dma_start3A_26] : memref<2x80x128xf32, #tpu.memory_space<vmem>> -> memref<1x80x128xf32, #tpu.memory_space<vmem>>
    %dma_start3A_28 = tpu.memref_squeeze %dma_start3A_27 : memref<1x80x128xf32, #tpu.memory_space<vmem>> -> memref<80x128xf32, #tpu.memory_space<vmem>>
    %dma_start3A_29 = arith.constant 0 : i32
    %dma_start3A_30 = tpu.memref_slice %arg8[%dma_start3A_22, %dma_start3A_23, %dma_start3A_29] : memref<2x8x80xi32, #tpu.memory_space<vmem>> -> memref<1x1x80xi32, #tpu.memory_space<vmem>>
    %dma_start3A_31 = tpu.memref_squeeze %dma_start3A_30 : memref<1x1x80xi32, #tpu.memory_space<vmem>> -> memref<80xi32, #tpu.memory_space<vmem>>
    %dma_start3A_32 = arith.constant 0 : i32
    %dma_start3A_33 = arith.constant 0 : i32
    %dma_start3A_34 = tpu.memref_slice %arg2[%dma_start3A_32, %dma_start3A_33] : memref<10000x128xf32, #tpu.memory_space<hbm>> -> memref<10000x128xf32, #tpu.memory_space<hbm>>
    tpu.enqueue_indirect_dma source(%dma_start3A_34 : memref<10000x128xf32, #tpu.memory_space<hbm>>) target(%dma_start3A_28 : memref<80x128xf32, #tpu.memory_space<vmem>>) offsets(%dma_start3A_31 : memref<80xi32, #tpu.memory_space<vmem>>) semaphore(%arg11 : memref<!tpu.dma_semaphore, #tpu.memory_space<semaphore_mem>>)
    %scan3A = arith.constant 0 : i32
    %scan3A_35 = arith.constant 0 : i32
    %scan3A_36 = arith.constant 62 : i32
    %scan3A_37 = arith.addi %scan3A_35, %scan3A_36 : i32
    %scan3A_38 = arith.constant 1 : i32
    scf.for %scan3A_113 = %scan3A_35 to %scan3A_37 step %scan3A_38  : i32 {
      %mul3A_114 = arith.constant 2 : i32
      %mul3A_115 = arith.muli %mul3A_114, %scan3A_113 : i32
      %dma_wait3A_116 = arith.constant 0 : i32
      %dma_wait3A_117 = arith.constant 0 : i32
      %dma_wait3A_118 = arith.constant 0 : i32
      %dma_wait3A_119 = arith.constant 0 : i32
      %dma_wait3A_120 = arith.constant 0 : i32
      %dma_wait3A_121 = tpu.memref_slice %arg9[%dma_wait3A_118, %dma_wait3A_119, %dma_wait3A_120] : memref<2x80x128xf32, #tpu.memory_space<vmem>> -> memref<1x80x128xf32, #tpu.memory_space<vmem>>
      %dma_wait3A_122 = tpu.memref_squeeze %dma_wait3A_121 : memref<1x80x128xf32, #tpu.memory_space<vmem>> -> memref<80x128xf32, #tpu.memory_space<vmem>>
      %dma_wait3A_123 = arith.constant 0 : i32
      %dma_wait3A_124 = tpu.memref_slice %arg8[%dma_wait3A_116, %dma_wait3A_117, %dma_wait3A_123] : memref<2x8x80xi32, #tpu.memory_space<vmem>> -> memref<1x1x80xi32, #tpu.memory_space<vmem>>
      %dma_wait3A_125 = tpu.memref_squeeze %dma_wait3A_124 : memref<1x1x80xi32, #tpu.memory_space<vmem>> -> memref<80xi32, #tpu.memory_space<vmem>>
      %dma_wait3A_126 = arith.constant 0 : i32
      %dma_wait3A_127 = arith.constant 0 : i32
      %dma_wait3A_128 = tpu.memref_slice %arg2[%dma_wait3A_126, %dma_wait3A_127] : memref<10000x128xf32, #tpu.memory_space<hbm>> -> memref<10000x128xf32, #tpu.memory_space<hbm>>
      tpu.wait_indirect_dma semaphore(%arg10 : memref<!tpu.dma_semaphore, #tpu.memory_space<semaphore_mem>>) src(%dma_wait3A_128 : memref<10000x128xf32, #tpu.memory_space<hbm>>) dst(%dma_wait3A_122 : memref<80x128xf32, #tpu.memory_space<vmem>>)
      %run_scoped3A_129 = arith.constant 0 : i32
      %run_scoped3A_130 = arith.constant 0 : i32
      %run_scoped3A_131 = arith.constant 1 : i32
      "tpu.region"() ({
        %run_scoped3A_159 = tpu.sem_alloc : memref<!tpu.dma_semaphore, #tpu.memory_space<semaphore_mem>>
        %dma_start3A_160 = arith.constant 0 : i32
        %dma_start3A_161 = arith.constant 0 : i32
        %dma_start3A_162 = tpu.memref_slice %arg9[%run_scoped3A_129, %dma_start3A_160, %dma_start3A_161] : memref<2x80x128xf32, #tpu.memory_space<vmem>> -> memref<1x80x128xf32, #tpu.memory_space<vmem>>
        %dma_start3A_163 = tpu.memref_squeeze %dma_start3A_162 : memref<1x80x128xf32, #tpu.memory_space<vmem>> -> memref<80x128xf32, #tpu.memory_space<vmem>>
        %dma_start3A_164 = arith.constant 0 : i32
        %dma_start3A_165 = tpu.memref_slice %arg8[%run_scoped3A_130, %run_scoped3A_131, %dma_start3A_164] : memref<2x8x80xi32, #tpu.memory_space<vmem>> -> memref<1x1x80xi32, #tpu.memory_space<vmem>>
        %dma_start3A_166 = tpu.memref_squeeze %dma_start3A_165 : memref<1x1x80xi32, #tpu.memory_space<vmem>> -> memref<80xi32, #tpu.memory_space<vmem>>
        %dma_start3A_167 = arith.constant 0 : i32
        %dma_start3A_168 = arith.constant 0 : i32
        %dma_start3A_169 = tpu.memref_slice %arg7[%dma_start3A_167, %dma_start3A_168] : memref<11392x128xf32, #tpu.memory_space<vmem_shared>> -> memref<11392x128xf32, #tpu.memory_space<vmem_shared>>
        tpu.enqueue_indirect_dma source(%dma_start3A_163 : memref<80x128xf32, #tpu.memory_space<vmem>>) target(%dma_start3A_169 : memref<11392x128xf32, #tpu.memory_space<vmem_shared>>) offsets(%dma_start3A_166 : memref<80xi32, #tpu.memory_space<vmem>>) semaphore(%run_scoped3A_159 : memref<!tpu.dma_semaphore, #tpu.memory_space<semaphore_mem>>) {add = true}
        %dma_wait3A_170 = arith.constant 0 : i32
        %dma_wait3A_171 = arith.constant 0 : i32
        %dma_wait3A_172 = tpu.memref_slice %arg9[%run_scoped3A_129, %dma_wait3A_170, %dma_wait3A_171] : memref<2x80x128xf32, #tpu.memory_space<vmem>> -> memref<1x80x128xf32, #tpu.memory_space<vmem>>
        %dma_wait3A_173 = tpu.memref_squeeze %dma_wait3A_172 : memref<1x80x128xf32, #tpu.memory_space<vmem>> -> memref<80x128xf32, #tpu.memory_space<vmem>>
        %dma_wait3A_174 = arith.constant 0 : i32
        %dma_wait3A_175 = tpu.memref_slice %arg8[%run_scoped3A_130, %run_scoped3A_131, %dma_wait3A_174] : memref<2x8x80xi32, #tpu.memory_space<vmem>> -> memref<1x1x80xi32, #tpu.memory_space<vmem>>
        %dma_wait3A_176 = tpu.memref_squeeze %dma_wait3A_175 : memref<1x1x80xi32, #tpu.memory_space<vmem>> -> memref<80xi32, #tpu.memory_space<vmem>>
        %dma_wait3A_177 = arith.constant 0 : i32
        %dma_wait3A_178 = arith.constant 0 : i32
        %dma_wait3A_179 = tpu.memref_slice %arg7[%dma_wait3A_177, %dma_wait3A_178] : memref<11392x128xf32, #tpu.memory_space<vmem_shared>> -> memref<11392x128xf32, #tpu.memory_space<vmem_shared>>
        tpu.wait_indirect_dma semaphore(%run_scoped3A_159 : memref<!tpu.dma_semaphore, #tpu.memory_space<semaphore_mem>>) src(%dma_wait3A_173 : memref<80x128xf32, #tpu.memory_space<vmem>>) dst(%dma_wait3A_179 : memref<11392x128xf32, #tpu.memory_space<vmem_shared>>)
        tpu.yield
      }) : () -> ()
      %add3A_132 = arith.constant 2 : i32
      %add3A_133 = arith.addi %mul3A_115, %add3A_132 : i32
      %lt3A = arith.constant 125 : i32
      %lt3A_134 = arith.cmpi slt, %add3A_133, %lt3A : i32
      %convert_element_type3A = arith.extui %lt3A_134 : i1 to i32
      %cond3A = arith.constant 0 : i32
      %cond3A_135 = arith.cmpi ne, %convert_element_type3A, %cond3A : i32
      scf.if %cond3A_135 {
        %add3A_159 = arith.constant 2 : i32
        %add3A_160 = arith.addi %mul3A_115, %add3A_159 : i32
        %add3A_161 = arith.addi %mul3A_4, %add3A_160 : i32
        %run_scoped3A_162 = arith.constant 0 : i32
        "tpu.region"() ({
          %run_scoped3A_176 = tpu.sem_alloc : memref<!tpu.dma_semaphore, #tpu.memory_space<semaphore_mem>>
          %dma_start3A_177 = arith.constant 0 : i32
          %dma_start3A_178 = arith.constant 0 : i32
          %dma_start3A_179 = tpu.memref_slice %arg8[%run_scoped3A_162, %dma_start3A_177, %dma_start3A_178] : memref<2x8x80xi32, #tpu.memory_space<vmem>> -> memref<1x8x80xi32, #tpu.memory_space<vmem>>
          %dma_start3A_180 = tpu.memref_squeeze %dma_start3A_179 : memref<1x8x80xi32, #tpu.memory_space<vmem>> -> memref<8x80xi32, #tpu.memory_space<vmem>>
          %dma_start3A_181 = arith.constant 0 : i32
          %dma_start3A_182 = arith.constant 0 : i32
          %dma_start3A_183 = tpu.memref_slice %arg3[%add3A_161, %dma_start3A_181, %dma_start3A_182] : memref<4000x8x80xi32, #tpu.memory_space<hbm>> -> memref<1x8x80xi32, #tpu.memory_space<hbm>>
          %dma_start3A_184 = tpu.memref_squeeze %dma_start3A_183 : memref<1x8x80xi32, #tpu.memory_space<hbm>> -> memref<8x80xi32, #tpu.memory_space<hbm>>
          %dma_start3A_185 = arith.constant 0 : i32
          %dma_start3A_186 = arith.constant 0 : i32
          %dma_start3A_187 = tpu.memref_slice %arg8[%run_scoped3A_162, %dma_start3A_185, %dma_start3A_186] : memref<2x8x80xi32, #tpu.memory_space<vmem>> -> memref<1x8x80xi32, #tpu.memory_space<vmem>>
          %dma_start3A_188 = tpu.memref_squeeze %dma_start3A_187 : memref<1x8x80xi32, #tpu.memory_space<vmem>> -> memref<8x80xi32, #tpu.memory_space<vmem>>
          %dma_start3A_189 = arith.constant 0 : i32
          %dma_start3A_190 = arith.constant 0 : i32
          %dma_start3A_191 = tpu.memref_slice %arg3[%add3A_161, %dma_start3A_189, %dma_start3A_190] : memref<4000x8x80xi32, #tpu.memory_space<hbm>> -> memref<1x8x80xi32, #tpu.memory_space<hbm>>
          %dma_start3A_192 = tpu.memref_squeeze %dma_start3A_191 : memref<1x8x80xi32, #tpu.memory_space<hbm>> -> memref<8x80xi32, #tpu.memory_space<hbm>>
          tpu.enqueue_dma source(%dma_start3A_192 : memref<8x80xi32, #tpu.memory_space<hbm>>) target(%dma_start3A_188 : memref<8x80xi32, #tpu.memory_space<vmem>>) target_semaphore(%run_scoped3A_176 : memref<!tpu.dma_semaphore, #tpu.memory_space<semaphore_mem>>)
          %dma_wait3A_193 = arith.constant 0 : i32
          %dma_wait3A_194 = arith.constant 0 : i32
          %dma_wait3A_195 = tpu.memref_slice %arg8[%run_scoped3A_162, %dma_wait3A_193, %dma_wait3A_194] : memref<2x8x80xi32, #tpu.memory_space<vmem>> -> memref<1x8x80xi32, #tpu.memory_space<vmem>>
          %dma_wait3A_196 = tpu.memref_squeeze %dma_wait3A_195 : memref<1x8x80xi32, #tpu.memory_space<vmem>> -> memref<8x80xi32, #tpu.memory_space<vmem>>
          %dma_wait3A_197 = arith.constant 0 : i32
          %dma_wait3A_198 = arith.constant 0 : i32
          %dma_wait3A_199 = tpu.memref_slice %arg3[%add3A_161, %dma_wait3A_197, %dma_wait3A_198] : memref<4000x8x80xi32, #tpu.memory_space<hbm>> -> memref<1x8x80xi32, #tpu.memory_space<hbm>>
          %dma_wait3A_200 = tpu.memref_squeeze %dma_wait3A_199 : memref<1x8x80xi32, #tpu.memory_space<hbm>> -> memref<8x80xi32, #tpu.memory_space<hbm>>
          %dma_wait3A_201 = arith.constant 0 : i32
          %dma_wait3A_202 = arith.constant 0 : i32
          %dma_wait3A_203 = tpu.memref_slice %arg8[%run_scoped3A_162, %dma_wait3A_201, %dma_wait3A_202] : memref<2x8x80xi32, #tpu.memory_space<vmem>> -> memref<1x8x80xi32, #tpu.memory_space<vmem>>
          %dma_wait3A_204 = tpu.memref_squeeze %dma_wait3A_203 : memref<1x8x80xi32, #tpu.memory_space<vmem>> -> memref<8x80xi32, #tpu.memory_space<vmem>>
          %dma_wait3A_205 = arith.constant 0 : i32
          %dma_wait3A_206 = arith.constant 0 : i32
          %dma_wait3A_207 = tpu.memref_slice %arg3[%add3A_161, %dma_wait3A_205, %dma_wait3A_206] : memref<4000x8x80xi32, #tpu.memory_space<hbm>> -> memref<1x8x80xi32, #tpu.memory_space<hbm>>
          %dma_wait3A_208 = tpu.memref_squeeze %dma_wait3A_207 : memref<1x8x80xi32, #tpu.memory_space<hbm>> -> memref<8x80xi32, #tpu.memory_space<hbm>>
          tpu.wait_dma2 semaphore(%run_scoped3A_176 : memref<!tpu.dma_semaphore, #tpu.memory_space<semaphore_mem>>) src(%dma_wait3A_208 : memref<8x80xi32, #tpu.memory_space<hbm>>) dst(%dma_wait3A_204 : memref<8x80xi32, #tpu.memory_space<vmem>>)
          tpu.yield
        }) : () -> ()
        %dma_start3A_163 = arith.constant 0 : i32
        %dma_start3A_164 = arith.constant 0 : i32
        %dma_start3A_165 = arith.constant 0 : i32
        %dma_start3A_166 = arith.constant 0 : i32
        %dma_start3A_167 = arith.constant 0 : i32
        %dma_start3A_168 = tpu.memref_slice %arg9[%dma_start3A_165, %dma_start3A_166, %dma_start3A_167] : memref<2x80x128xf32, #tpu.memory_space<vmem>> -> memref<1x80x128xf32, #tpu.memory_space<vmem>>
        %dma_start3A_169 = tpu.memref_squeeze %dma_start3A_168 : memref<1x80x128xf32, #tpu.memory_space<vmem>> -> memref<80x128xf32, #tpu.memory_space<vmem>>
        %dma_start3A_170 = arith.constant 0 : i32
        %dma_start3A_171 = tpu.memref_slice %arg8[%dma_start3A_163, %dma_start3A_164, %dma_start3A_170] : memref<2x8x80xi32, #tpu.memory_space<vmem>> -> memref<1x1x80xi32, #tpu.memory_space<vmem>>
        %dma_start3A_172 = tpu.memref_squeeze %dma_start3A_171 : memref<1x1x80xi32, #tpu.memory_space<vmem>> -> memref<80xi32, #tpu.memory_space<vmem>>
        %dma_start3A_173 = arith.constant 0 : i32
        %dma_start3A_174 = arith.constant 0 : i32
        %dma_start3A_175 = tpu.memref_slice %arg2[%dma_start3A_173, %dma_start3A_174] : memref<10000x128xf32, #tpu.memory_space<hbm>> -> memref<10000x128xf32, #tpu.memory_space<hbm>>
        tpu.enqueue_indirect_dma source(%dma_start3A_175 : memref<10000x128xf32, #tpu.memory_space<hbm>>) target(%dma_start3A_169 : memref<80x128xf32, #tpu.memory_space<vmem>>) offsets(%dma_start3A_172 : memref<80xi32, #tpu.memory_space<vmem>>) semaphore(%arg10 : memref<!tpu.dma_semaphore, #tpu.memory_space<semaphore_mem>>)
      } else {
      }
      %dma_wait3A_136 = arith.constant 1 : i32
      %dma_wait3A_137 = arith.constant 0 : i32
      %dma_wait3A_138 = arith.constant 1 : i32
      %dma_wait3A_139 = arith.constant 0 : i32
      %dma_wait3A_140 = arith.constant 0 : i32
      %dma_wait3A_141 = tpu.memref_slice %arg9[%dma_wait3A_138, %dma_wait3A_139, %dma_wait3A_140] : memref<2x80x128xf32, #tpu.memory_space<vmem>> -> memref<1x80x128xf32, #tpu.memory_space<vmem>>
      %dma_wait3A_142 = tpu.memref_squeeze %dma_wait3A_141 : memref<1x80x128xf32, #tpu.memory_space<vmem>> -> memref<80x128xf32, #tpu.memory_space<vmem>>
      %dma_wait3A_143 = arith.constant 0 : i32
      %dma_wait3A_144 = tpu.memref_slice %arg8[%dma_wait3A_136, %dma_wait3A_137, %dma_wait3A_143] : memref<2x8x80xi32, #tpu.memory_space<vmem>> -> memref<1x1x80xi32, #tpu.memory_space<vmem>>
      %dma_wait3A_145 = tpu.memref_squeeze %dma_wait3A_144 : memref<1x1x80xi32, #tpu.memory_space<vmem>> -> memref<80xi32, #tpu.memory_space<vmem>>
      %dma_wait3A_146 = arith.constant 0 : i32
      %dma_wait3A_147 = arith.constant 0 : i32
      %dma_wait3A_148 = tpu.memref_slice %arg2[%dma_wait3A_146, %dma_wait3A_147] : memref<10000x128xf32, #tpu.memory_space<hbm>> -> memref<10000x128xf32, #tpu.memory_space<hbm>>
      tpu.wait_indirect_dma semaphore(%arg11 : memref<!tpu.dma_semaphore, #tpu.memory_space<semaphore_mem>>) src(%dma_wait3A_148 : memref<10000x128xf32, #tpu.memory_space<hbm>>) dst(%dma_wait3A_142 : memref<80x128xf32, #tpu.memory_space<vmem>>)
      %run_scoped3A_149 = arith.constant 1 : i32
      %run_scoped3A_150 = arith.constant 1 : i32
      %run_scoped3A_151 = arith.constant 1 : i32
      "tpu.region"() ({
        %run_scoped3A_159 = tpu.sem_alloc : memref<!tpu.dma_semaphore, #tpu.memory_space<semaphore_mem>>
        %dma_start3A_160 = arith.constant 0 : i32
        %dma_start3A_161 = arith.constant 0 : i32
        %dma_start3A_162 = tpu.memref_slice %arg9[%run_scoped3A_149, %dma_start3A_160, %dma_start3A_161] : memref<2x80x128xf32, #tpu.memory_space<vmem>> -> memref<1x80x128xf32, #tpu.memory_space<vmem>>
        %dma_start3A_163 = tpu.memref_squeeze %dma_start3A_162 : memref<1x80x128xf32, #tpu.memory_space<vmem>> -> memref<80x128xf32, #tpu.memory_space<vmem>>
        %dma_start3A_164 = arith.constant 0 : i32
        %dma_start3A_165 = tpu.memref_slice %arg8[%run_scoped3A_150, %run_scoped3A_151, %dma_start3A_164] : memref<2x8x80xi32, #tpu.memory_space<vmem>> -> memref<1x1x80xi32, #tpu.memory_space<vmem>>
        %dma_start3A_166 = tpu.memref_squeeze %dma_start3A_165 : memref<1x1x80xi32, #tpu.memory_space<vmem>> -> memref<80xi32, #tpu.memory_space<vmem>>
        %dma_start3A_167 = arith.constant 0 : i32
        %dma_start3A_168 = arith.constant 0 : i32
        %dma_start3A_169 = tpu.memref_slice %arg7[%dma_start3A_167, %dma_start3A_168] : memref<11392x128xf32, #tpu.memory_space<vmem_shared>> -> memref<11392x128xf32, #tpu.memory_space<vmem_shared>>
        tpu.enqueue_indirect_dma source(%dma_start3A_163 : memref<80x128xf32, #tpu.memory_space<vmem>>) target(%dma_start3A_169 : memref<11392x128xf32, #tpu.memory_space<vmem_shared>>) offsets(%dma_start3A_166 : memref<80xi32, #tpu.memory_space<vmem>>) semaphore(%run_scoped3A_159 : memref<!tpu.dma_semaphore, #tpu.memory_space<semaphore_mem>>) {add = true}
        %dma_wait3A_170 = arith.constant 0 : i32
        %dma_wait3A_171 = arith.constant 0 : i32
        %dma_wait3A_172 = tpu.memref_slice %arg9[%run_scoped3A_149, %dma_wait3A_170, %dma_wait3A_171] : memref<2x80x128xf32, #tpu.memory_space<vmem>> -> memref<1x80x128xf32, #tpu.memory_space<vmem>>
        %dma_wait3A_173 = tpu.memref_squeeze %dma_wait3A_172 : memref<1x80x128xf32, #tpu.memory_space<vmem>> -> memref<80x128xf32, #tpu.memory_space<vmem>>
        %dma_wait3A_174 = arith.constant 0 : i32
        %dma_wait3A_175 = tpu.memref_slice %arg8[%run_scoped3A_150, %run_scoped3A_151, %dma_wait3A_174] : memref<2x8x80xi32, #tpu.memory_space<vmem>> -> memref<1x1x80xi32, #tpu.memory_space<vmem>>
        %dma_wait3A_176 = tpu.memref_squeeze %dma_wait3A_175 : memref<1x1x80xi32, #tpu.memory_space<vmem>> -> memref<80xi32, #tpu.memory_space<vmem>>
        %dma_wait3A_177 = arith.constant 0 : i32
        %dma_wait3A_178 = arith.constant 0 : i32
        %dma_wait3A_179 = tpu.memref_slice %arg7[%dma_wait3A_177, %dma_wait3A_178] : memref<11392x128xf32, #tpu.memory_space<vmem_shared>> -> memref<11392x128xf32, #tpu.memory_space<vmem_shared>>
        tpu.wait_indirect_dma semaphore(%run_scoped3A_159 : memref<!tpu.dma_semaphore, #tpu.memory_space<semaphore_mem>>) src(%dma_wait3A_173 : memref<80x128xf32, #tpu.memory_space<vmem>>) dst(%dma_wait3A_179 : memref<11392x128xf32, #tpu.memory_space<vmem_shared>>)
        tpu.yield
      }) : () -> ()
      %add3A_152 = arith.constant 3 : i32
      %add3A_153 = arith.addi %mul3A_115, %add3A_152 : i32
      %lt3A_154 = arith.constant 125 : i32
      %lt3A_155 = arith.cmpi slt, %add3A_153, %lt3A_154 : i32
      %convert_element_type3A_156 = arith.extui %lt3A_155 : i1 to i32
      %cond3A_157 = arith.constant 0 : i32
      %cond3A_158 = arith.cmpi ne, %convert_element_type3A_156, %cond3A_157 : i32
      scf.if %cond3A_158 {
        %add3A_159 = arith.constant 3 : i32
        %add3A_160 = arith.addi %mul3A_115, %add3A_159 : i32
        %add3A_161 = arith.addi %mul3A_4, %add3A_160 : i32
        %run_scoped3A_162 = arith.constant 1 : i32
        "tpu.region"() ({
          %run_scoped3A_176 = tpu.sem_alloc : memref<!tpu.dma_semaphore, #tpu.memory_space<semaphore_mem>>
          %dma_start3A_177 = arith.constant 0 : i32
          %dma_start3A_178 = arith.constant 0 : i32
          %dma_start3A_179 = tpu.memref_slice %arg8[%run_scoped3A_162, %dma_start3A_177, %dma_start3A_178] : memref<2x8x80xi32, #tpu.memory_space<vmem>> -> memref<1x8x80xi32, #tpu.memory_space<vmem>>
          %dma_start3A_180 = tpu.memref_squeeze %dma_start3A_179 : memref<1x8x80xi32, #tpu.memory_space<vmem>> -> memref<8x80xi32, #tpu.memory_space<vmem>>
          %dma_start3A_181 = arith.constant 0 : i32
          %dma_start3A_182 = arith.constant 0 : i32
          %dma_start3A_183 = tpu.memref_slice %arg3[%add3A_161, %dma_start3A_181, %dma_start3A_182] : memref<4000x8x80xi32, #tpu.memory_space<hbm>> -> memref<1x8x80xi32, #tpu.memory_space<hbm>>
          %dma_start3A_184 = tpu.memref_squeeze %dma_start3A_183 : memref<1x8x80xi32, #tpu.memory_space<hbm>> -> memref<8x80xi32, #tpu.memory_space<hbm>>
          %dma_start3A_185 = arith.constant 0 : i32
          %dma_start3A_186 = arith.constant 0 : i32
          %dma_start3A_187 = tpu.memref_slice %arg8[%run_scoped3A_162, %dma_start3A_185, %dma_start3A_186] : memref<2x8x80xi32, #tpu.memory_space<vmem>> -> memref<1x8x80xi32, #tpu.memory_space<vmem>>
          %dma_start3A_188 = tpu.memref_squeeze %dma_start3A_187 : memref<1x8x80xi32, #tpu.memory_space<vmem>> -> memref<8x80xi32, #tpu.memory_space<vmem>>
          %dma_start3A_189 = arith.constant 0 : i32
          %dma_start3A_190 = arith.constant 0 : i32
          %dma_start3A_191 = tpu.memref_slice %arg3[%add3A_161, %dma_start3A_189, %dma_start3A_190] : memref<4000x8x80xi32, #tpu.memory_space<hbm>> -> memref<1x8x80xi32, #tpu.memory_space<hbm>>
          %dma_start3A_192 = tpu.memref_squeeze %dma_start3A_191 : memref<1x8x80xi32, #tpu.memory_space<hbm>> -> memref<8x80xi32, #tpu.memory_space<hbm>>
          tpu.enqueue_dma source(%dma_start3A_192 : memref<8x80xi32, #tpu.memory_space<hbm>>) target(%dma_start3A_188 : memref<8x80xi32, #tpu.memory_space<vmem>>) target_semaphore(%run_scoped3A_176 : memref<!tpu.dma_semaphore, #tpu.memory_space<semaphore_mem>>)
          %dma_wait3A_193 = arith.constant 0 : i32
          %dma_wait3A_194 = arith.constant 0 : i32
          %dma_wait3A_195 = tpu.memref_slice %arg8[%run_scoped3A_162, %dma_wait3A_193, %dma_wait3A_194] : memref<2x8x80xi32, #tpu.memory_space<vmem>> -> memref<1x8x80xi32, #tpu.memory_space<vmem>>
          %dma_wait3A_196 = tpu.memref_squeeze %dma_wait3A_195 : memref<1x8x80xi32, #tpu.memory_space<vmem>> -> memref<8x80xi32, #tpu.memory_space<vmem>>
          %dma_wait3A_197 = arith.constant 0 : i32
          %dma_wait3A_198 = arith.constant 0 : i32
          %dma_wait3A_199 = tpu.memref_slice %arg3[%add3A_161, %dma_wait3A_197, %dma_wait3A_198] : memref<4000x8x80xi32, #tpu.memory_space<hbm>> -> memref<1x8x80xi32, #tpu.memory_space<hbm>>
          %dma_wait3A_200 = tpu.memref_squeeze %dma_wait3A_199 : memref<1x8x80xi32, #tpu.memory_space<hbm>> -> memref<8x80xi32, #tpu.memory_space<hbm>>
          %dma_wait3A_201 = arith.constant 0 : i32
          %dma_wait3A_202 = arith.constant 0 : i32
          %dma_wait3A_203 = tpu.memref_slice %arg8[%run_scoped3A_162, %dma_wait3A_201, %dma_wait3A_202] : memref<2x8x80xi32, #tpu.memory_space<vmem>> -> memref<1x8x80xi32, #tpu.memory_space<vmem>>
          %dma_wait3A_204 = tpu.memref_squeeze %dma_wait3A_203 : memref<1x8x80xi32, #tpu.memory_space<vmem>> -> memref<8x80xi32, #tpu.memory_space<vmem>>
          %dma_wait3A_205 = arith.constant 0 : i32
          %dma_wait3A_206 = arith.constant 0 : i32
          %dma_wait3A_207 = tpu.memref_slice %arg3[%add3A_161, %dma_wait3A_205, %dma_wait3A_206] : memref<4000x8x80xi32, #tpu.memory_space<hbm>> -> memref<1x8x80xi32, #tpu.memory_space<hbm>>
          %dma_wait3A_208 = tpu.memref_squeeze %dma_wait3A_207 : memref<1x8x80xi32, #tpu.memory_space<hbm>> -> memref<8x80xi32, #tpu.memory_space<hbm>>
          tpu.wait_dma2 semaphore(%run_scoped3A_176 : memref<!tpu.dma_semaphore, #tpu.memory_space<semaphore_mem>>) src(%dma_wait3A_208 : memref<8x80xi32, #tpu.memory_space<hbm>>) dst(%dma_wait3A_204 : memref<8x80xi32, #tpu.memory_space<vmem>>)
          tpu.yield
        }) : () -> ()
        %dma_start3A_163 = arith.constant 1 : i32
        %dma_start3A_164 = arith.constant 0 : i32
        %dma_start3A_165 = arith.constant 1 : i32
        %dma_start3A_166 = arith.constant 0 : i32
        %dma_start3A_167 = arith.constant 0 : i32
        %dma_start3A_168 = tpu.memref_slice %arg9[%dma_start3A_165, %dma_start3A_166, %dma_start3A_167] : memref<2x80x128xf32, #tpu.memory_space<vmem>> -> memref<1x80x128xf32, #tpu.memory_space<vmem>>
        %dma_start3A_169 = tpu.memref_squeeze %dma_start3A_168 : memref<1x80x128xf32, #tpu.memory_space<vmem>> -> memref<80x128xf32, #tpu.memory_space<vmem>>
        %dma_start3A_170 = arith.constant 0 : i32
        %dma_start3A_171 = tpu.memref_slice %arg8[%dma_start3A_163, %dma_start3A_164, %dma_start3A_170] : memref<2x8x80xi32, #tpu.memory_space<vmem>> -> memref<1x1x80xi32, #tpu.memory_space<vmem>>
        %dma_start3A_172 = tpu.memref_squeeze %dma_start3A_171 : memref<1x1x80xi32, #tpu.memory_space<vmem>> -> memref<80xi32, #tpu.memory_space<vmem>>
        %dma_start3A_173 = arith.constant 0 : i32
        %dma_start3A_174 = arith.constant 0 : i32
        %dma_start3A_175 = tpu.memref_slice %arg2[%dma_start3A_173, %dma_start3A_174] : memref<10000x128xf32, #tpu.memory_space<hbm>> -> memref<10000x128xf32, #tpu.memory_space<hbm>>
        tpu.enqueue_indirect_dma source(%dma_start3A_175 : memref<10000x128xf32, #tpu.memory_space<hbm>>) target(%dma_start3A_169 : memref<80x128xf32, #tpu.memory_space<vmem>>) offsets(%dma_start3A_172 : memref<80xi32, #tpu.memory_space<vmem>>) semaphore(%arg11 : memref<!tpu.dma_semaphore, #tpu.memory_space<semaphore_mem>>)
      } else {
      }
    }
    %scan3A_39 = arith.constant 62 : i32
    %dma_wait3A = arith.constant 0 : i32
    %dma_wait3A_40 = arith.constant 0 : i32
    %dma_wait3A_41 = arith.constant 0 : i32
    %dma_wait3A_42 = arith.constant 0 : i32
    %dma_wait3A_43 = arith.constant 0 : i32
    %dma_wait3A_44 = tpu.memref_slice %arg9[%dma_wait3A_41, %dma_wait3A_42, %dma_wait3A_43] : memref<2x80x128xf32, #tpu.memory_space<vmem>> -> memref<1x80x128xf32, #tpu.memory_space<vmem>>
    %dma_wait3A_45 = tpu.memref_squeeze %dma_wait3A_44 : memref<1x80x128xf32, #tpu.memory_space<vmem>> -> memref<80x128xf32, #tpu.memory_space<vmem>>
    %dma_wait3A_46 = arith.constant 0 : i32
    %dma_wait3A_47 = tpu.memref_slice %arg8[%dma_wait3A, %dma_wait3A_40, %dma_wait3A_46] : memref<2x8x80xi32, #tpu.memory_space<vmem>> -> memref<1x1x80xi32, #tpu.memory_space<vmem>>
    %dma_wait3A_48 = tpu.memref_squeeze %dma_wait3A_47 : memref<1x1x80xi32, #tpu.memory_space<vmem>> -> memref<80xi32, #tpu.memory_space<vmem>>
    %dma_wait3A_49 = arith.constant 0 : i32
    %dma_wait3A_50 = arith.constant 0 : i32
    %dma_wait3A_51 = tpu.memref_slice %arg2[%dma_wait3A_49, %dma_wait3A_50] : memref<10000x128xf32, #tpu.memory_space<hbm>> -> memref<10000x128xf32, #tpu.memory_space<hbm>>
    tpu.wait_indirect_dma semaphore(%arg10 : memref<!tpu.dma_semaphore, #tpu.memory_space<semaphore_mem>>) src(%dma_wait3A_51 : memref<10000x128xf32, #tpu.memory_space<hbm>>) dst(%dma_wait3A_45 : memref<80x128xf32, #tpu.memory_space<vmem>>)
    %run_scoped3A_52 = arith.constant 0 : i32
    %run_scoped3A_53 = arith.constant 0 : i32
    %run_scoped3A_54 = arith.constant 1 : i32
    "tpu.region"() ({
      %run_scoped3A_113 = tpu.sem_alloc : memref<!tpu.dma_semaphore, #tpu.memory_space<semaphore_mem>>
      %dma_start3A_114 = arith.constant 0 : i32
      %dma_start3A_115 = arith.constant 0 : i32
      %dma_start3A_116 = tpu.memref_slice %arg9[%run_scoped3A_52, %dma_start3A_114, %dma_start3A_115] : memref<2x80x128xf32, #tpu.memory_space<vmem>> -> memref<1x80x128xf32, #tpu.memory_space<vmem>>
      %dma_start3A_117 = tpu.memref_squeeze %dma_start3A_116 : memref<1x80x128xf32, #tpu.memory_space<vmem>> -> memref<80x128xf32, #tpu.memory_space<vmem>>
      %dma_start3A_118 = arith.constant 0 : i32
      %dma_start3A_119 = tpu.memref_slice %arg8[%run_scoped3A_53, %run_scoped3A_54, %dma_start3A_118] : memref<2x8x80xi32, #tpu.memory_space<vmem>> -> memref<1x1x80xi32, #tpu.memory_space<vmem>>
      %dma_start3A_120 = tpu.memref_squeeze %dma_start3A_119 : memref<1x1x80xi32, #tpu.memory_space<vmem>> -> memref<80xi32, #tpu.memory_space<vmem>>
      %dma_start3A_121 = arith.constant 0 : i32
      %dma_start3A_122 = arith.constant 0 : i32
      %dma_start3A_123 = tpu.memref_slice %arg7[%dma_start3A_121, %dma_start3A_122] : memref<11392x128xf32, #tpu.memory_space<vmem_shared>> -> memref<11392x128xf32, #tpu.memory_space<vmem_shared>>
      tpu.enqueue_indirect_dma source(%dma_start3A_117 : memref<80x128xf32, #tpu.memory_space<vmem>>) target(%dma_start3A_123 : memref<11392x128xf32, #tpu.memory_space<vmem_shared>>) offsets(%dma_start3A_120 : memref<80xi32, #tpu.memory_space<vmem>>) semaphore(%run_scoped3A_113 : memref<!tpu.dma_semaphore, #tpu.memory_space<semaphore_mem>>) {add = true}
      %dma_wait3A_124 = arith.constant 0 : i32
      %dma_wait3A_125 = arith.constant 0 : i32
      %dma_wait3A_126 = tpu.memref_slice %arg9[%run_scoped3A_52, %dma_wait3A_124, %dma_wait3A_125] : memref<2x80x128xf32, #tpu.memory_space<vmem>> -> memref<1x80x128xf32, #tpu.memory_space<vmem>>
      %dma_wait3A_127 = tpu.memref_squeeze %dma_wait3A_126 : memref<1x80x128xf32, #tpu.memory_space<vmem>> -> memref<80x128xf32, #tpu.memory_space<vmem>>
      %dma_wait3A_128 = arith.constant 0 : i32
      %dma_wait3A_129 = tpu.memref_slice %arg8[%run_scoped3A_53, %run_scoped3A_54, %dma_wait3A_128] : memref<2x8x80xi32, #tpu.memory_space<vmem>> -> memref<1x1x80xi32, #tpu.memory_space<vmem>>
      %dma_wait3A_130 = tpu.memref_squeeze %dma_wait3A_129 : memref<1x1x80xi32, #tpu.memory_space<vmem>> -> memref<80xi32, #tpu.memory_space<vmem>>
      %dma_wait3A_131 = arith.constant 0 : i32
      %dma_wait3A_132 = arith.constant 0 : i32
      %dma_wait3A_133 = tpu.memref_slice %arg7[%dma_wait3A_131, %dma_wait3A_132] : memref<11392x128xf32, #tpu.memory_space<vmem_shared>> -> memref<11392x128xf32, #tpu.memory_space<vmem_shared>>
      tpu.wait_indirect_dma semaphore(%run_scoped3A_113 : memref<!tpu.dma_semaphore, #tpu.memory_space<semaphore_mem>>) src(%dma_wait3A_127 : memref<80x128xf32, #tpu.memory_space<vmem>>) dst(%dma_wait3A_133 : memref<11392x128xf32, #tpu.memory_space<vmem_shared>>)
      tpu.yield
    }) : () -> ()
    %add3A_55 = arith.constant 0 : i32
    %add3A_56 = arith.addi %mul3A_4, %add3A_55 : i32
    %run_scoped3A_57 = arith.constant 0 : i32
    "tpu.region"() ({
      %run_scoped3A_113 = tpu.sem_alloc : memref<!tpu.dma_semaphore, #tpu.memory_space<semaphore_mem>>
      %dma_start3A_114 = arith.constant 0 : i32
      %dma_start3A_115 = arith.constant 0 : i32
      %dma_start3A_116 = tpu.memref_slice %arg8[%run_scoped3A_57, %dma_start3A_114, %dma_start3A_115] : memref<2x8x80xi32, #tpu.memory_space<vmem>> -> memref<1x8x80xi32, #tpu.memory_space<vmem>>
      %dma_start3A_117 = tpu.memref_squeeze %dma_start3A_116 : memref<1x8x80xi32, #tpu.memory_space<vmem>> -> memref<8x80xi32, #tpu.memory_space<vmem>>
      %dma_start3A_118 = arith.constant 0 : i32
      %dma_start3A_119 = arith.constant 0 : i32
      %dma_start3A_120 = tpu.memref_slice %arg3[%add3A_56, %dma_start3A_118, %dma_start3A_119] : memref<4000x8x80xi32, #tpu.memory_space<hbm>> -> memref<1x8x80xi32, #tpu.memory_space<hbm>>
      %dma_start3A_121 = tpu.memref_squeeze %dma_start3A_120 : memref<1x8x80xi32, #tpu.memory_space<hbm>> -> memref<8x80xi32, #tpu.memory_space<hbm>>
      %dma_start3A_122 = arith.constant 0 : i32
      %dma_start3A_123 = arith.constant 0 : i32
      %dma_start3A_124 = tpu.memref_slice %arg8[%run_scoped3A_57, %dma_start3A_122, %dma_start3A_123] : memref<2x8x80xi32, #tpu.memory_space<vmem>> -> memref<1x8x80xi32, #tpu.memory_space<vmem>>
      %dma_start3A_125 = tpu.memref_squeeze %dma_start3A_124 : memref<1x8x80xi32, #tpu.memory_space<vmem>> -> memref<8x80xi32, #tpu.memory_space<vmem>>
      %dma_start3A_126 = arith.constant 0 : i32
      %dma_start3A_127 = arith.constant 0 : i32
      %dma_start3A_128 = tpu.memref_slice %arg3[%add3A_56, %dma_start3A_126, %dma_start3A_127] : memref<4000x8x80xi32, #tpu.memory_space<hbm>> -> memref<1x8x80xi32, #tpu.memory_space<hbm>>
      %dma_start3A_129 = tpu.memref_squeeze %dma_start3A_128 : memref<1x8x80xi32, #tpu.memory_space<hbm>> -> memref<8x80xi32, #tpu.memory_space<hbm>>
      tpu.enqueue_dma source(%dma_start3A_129 : memref<8x80xi32, #tpu.memory_space<hbm>>) target(%dma_start3A_125 : memref<8x80xi32, #tpu.memory_space<vmem>>) target_semaphore(%run_scoped3A_113 : memref<!tpu.dma_semaphore, #tpu.memory_space<semaphore_mem>>)
      %dma_wait3A_130 = arith.constant 0 : i32
      %dma_wait3A_131 = arith.constant 0 : i32
      %dma_wait3A_132 = tpu.memref_slice %arg8[%run_scoped3A_57, %dma_wait3A_130, %dma_wait3A_131] : memref<2x8x80xi32, #tpu.memory_space<vmem>> -> memref<1x8x80xi32, #tpu.memory_space<vmem>>
      %dma_wait3A_133 = tpu.memref_squeeze %dma_wait3A_132 : memref<1x8x80xi32, #tpu.memory_space<vmem>> -> memref<8x80xi32, #tpu.memory_space<vmem>>
      %dma_wait3A_134 = arith.constant 0 : i32
      %dma_wait3A_135 = arith.constant 0 : i32
      %dma_wait3A_136 = tpu.memref_slice %arg3[%add3A_56, %dma_wait3A_134, %dma_wait3A_135] : memref<4000x8x80xi32, #tpu.memory_space<hbm>> -> memref<1x8x80xi32, #tpu.memory_space<hbm>>
      %dma_wait3A_137 = tpu.memref_squeeze %dma_wait3A_136 : memref<1x8x80xi32, #tpu.memory_space<hbm>> -> memref<8x80xi32, #tpu.memory_space<hbm>>
      %dma_wait3A_138 = arith.constant 0 : i32
      %dma_wait3A_139 = arith.constant 0 : i32
      %dma_wait3A_140 = tpu.memref_slice %arg8[%run_scoped3A_57, %dma_wait3A_138, %dma_wait3A_139] : memref<2x8x80xi32, #tpu.memory_space<vmem>> -> memref<1x8x80xi32, #tpu.memory_space<vmem>>
      %dma_wait3A_141 = tpu.memref_squeeze %dma_wait3A_140 : memref<1x8x80xi32, #tpu.memory_space<vmem>> -> memref<8x80xi32, #tpu.memory_space<vmem>>
      %dma_wait3A_142 = arith.constant 0 : i32
      %dma_wait3A_143 = arith.constant 0 : i32
      %dma_wait3A_144 = tpu.memref_slice %arg3[%add3A_56, %dma_wait3A_142, %dma_wait3A_143] : memref<4000x8x80xi32, #tpu.memory_space<hbm>> -> memref<1x8x80xi32, #tpu.memory_space<hbm>>
      %dma_wait3A_145 = tpu.memref_squeeze %dma_wait3A_144 : memref<1x8x80xi32, #tpu.memory_space<hbm>> -> memref<8x80xi32, #tpu.memory_space<hbm>>
      tpu.wait_dma2 semaphore(%run_scoped3A_113 : memref<!tpu.dma_semaphore, #tpu.memory_space<semaphore_mem>>) src(%dma_wait3A_145 : memref<8x80xi32, #tpu.memory_space<hbm>>) dst(%dma_wait3A_141 : memref<8x80xi32, #tpu.memory_space<vmem>>)
      tpu.yield
    }) : () -> ()
    %dma_start3A_58 = arith.constant 0 : i32
    %dma_start3A_59 = arith.constant 2 : i32
    %dma_start3A_60 = arith.constant 0 : i32
    %dma_start3A_61 = arith.constant 0 : i32
    %dma_start3A_62 = arith.constant 0 : i32
    %dma_start3A_63 = tpu.memref_slice %arg9[%dma_start3A_60, %dma_start3A_61, %dma_start3A_62] : memref<2x80x128xf32, #tpu.memory_space<vmem>> -> memref<1x80x128xf32, #tpu.memory_space<vmem>>
    %dma_start3A_64 = tpu.memref_squeeze %dma_start3A_63 : memref<1x80x128xf32, #tpu.memory_space<vmem>> -> memref<80x128xf32, #tpu.memory_space<vmem>>
    %dma_start3A_65 = arith.constant 0 : i32
    %dma_start3A_66 = tpu.memref_slice %arg8[%dma_start3A_58, %dma_start3A_59, %dma_start3A_65] : memref<2x8x80xi32, #tpu.memory_space<vmem>> -> memref<1x1x80xi32, #tpu.memory_space<vmem>>
    %dma_start3A_67 = tpu.memref_squeeze %dma_start3A_66 : memref<1x1x80xi32, #tpu.memory_space<vmem>> -> memref<80xi32, #tpu.memory_space<vmem>>
    %dma_start3A_68 = arith.constant 0 : i32
    %dma_start3A_69 = arith.constant 0 : i32
    %dma_start3A_70 = tpu.memref_slice %arg4[%dma_start3A_68, %dma_start3A_69] : memref<512x128xf32, #tpu.memory_space<hbm>> -> memref<512x128xf32, #tpu.memory_space<hbm>>
    tpu.enqueue_indirect_dma source(%dma_start3A_70 : memref<512x128xf32, #tpu.memory_space<hbm>>) target(%dma_start3A_64 : memref<80x128xf32, #tpu.memory_space<vmem>>) offsets(%dma_start3A_67 : memref<80xi32, #tpu.memory_space<vmem>>) semaphore(%arg10 : memref<!tpu.dma_semaphore, #tpu.memory_space<semaphore_mem>>)
    %add3A_71 = arith.constant 1 : i32
    %add3A_72 = arith.addi %mul3A_4, %add3A_71 : i32
    %run_scoped3A_73 = arith.constant 1 : i32
    "tpu.region"() ({
      %run_scoped3A_113 = tpu.sem_alloc : memref<!tpu.dma_semaphore, #tpu.memory_space<semaphore_mem>>
      %dma_start3A_114 = arith.constant 0 : i32
      %dma_start3A_115 = arith.constant 0 : i32
      %dma_start3A_116 = tpu.memref_slice %arg8[%run_scoped3A_73, %dma_start3A_114, %dma_start3A_115] : memref<2x8x80xi32, #tpu.memory_space<vmem>> -> memref<1x8x80xi32, #tpu.memory_space<vmem>>
      %dma_start3A_117 = tpu.memref_squeeze %dma_start3A_116 : memref<1x8x80xi32, #tpu.memory_space<vmem>> -> memref<8x80xi32, #tpu.memory_space<vmem>>
      %dma_start3A_118 = arith.constant 0 : i32
      %dma_start3A_119 = arith.constant 0 : i32
      %dma_start3A_120 = tpu.memref_slice %arg3[%add3A_72, %dma_start3A_118, %dma_start3A_119] : memref<4000x8x80xi32, #tpu.memory_space<hbm>> -> memref<1x8x80xi32, #tpu.memory_space<hbm>>
      %dma_start3A_121 = tpu.memref_squeeze %dma_start3A_120 : memref<1x8x80xi32, #tpu.memory_space<hbm>> -> memref<8x80xi32, #tpu.memory_space<hbm>>
      %dma_start3A_122 = arith.constant 0 : i32
      %dma_start3A_123 = arith.constant 0 : i32
      %dma_start3A_124 = tpu.memref_slice %arg8[%run_scoped3A_73, %dma_start3A_122, %dma_start3A_123] : memref<2x8x80xi32, #tpu.memory_space<vmem>> -> memref<1x8x80xi32, #tpu.memory_space<vmem>>
      %dma_start3A_125 = tpu.memref_squeeze %dma_start3A_124 : memref<1x8x80xi32, #tpu.memory_space<vmem>> -> memref<8x80xi32, #tpu.memory_space<vmem>>
      %dma_start3A_126 = arith.constant 0 : i32
      %dma_start3A_127 = arith.constant 0 : i32
      %dma_start3A_128 = tpu.memref_slice %arg3[%add3A_72, %dma_start3A_126, %dma_start3A_127] : memref<4000x8x80xi32, #tpu.memory_space<hbm>> -> memref<1x8x80xi32, #tpu.memory_space<hbm>>
      %dma_start3A_129 = tpu.memref_squeeze %dma_start3A_128 : memref<1x8x80xi32, #tpu.memory_space<hbm>> -> memref<8x80xi32, #tpu.memory_space<hbm>>
      tpu.enqueue_dma source(%dma_start3A_129 : memref<8x80xi32, #tpu.memory_space<hbm>>) target(%dma_start3A_125 : memref<8x80xi32, #tpu.memory_space<vmem>>) target_semaphore(%run_scoped3A_113 : memref<!tpu.dma_semaphore, #tpu.memory_space<semaphore_mem>>)
      %dma_wait3A_130 = arith.constant 0 : i32
      %dma_wait3A_131 = arith.constant 0 : i32
      %dma_wait3A_132 = tpu.memref_slice %arg8[%run_scoped3A_73, %dma_wait3A_130, %dma_wait3A_131] : memref<2x8x80xi32, #tpu.memory_space<vmem>> -> memref<1x8x80xi32, #tpu.memory_space<vmem>>
      %dma_wait3A_133 = tpu.memref_squeeze %dma_wait3A_132 : memref<1x8x80xi32, #tpu.memory_space<vmem>> -> memref<8x80xi32, #tpu.memory_space<vmem>>
      %dma_wait3A_134 = arith.constant 0 : i32
      %dma_wait3A_135 = arith.constant 0 : i32
      %dma_wait3A_136 = tpu.memref_slice %arg3[%add3A_72, %dma_wait3A_134, %dma_wait3A_135] : memref<4000x8x80xi32, #tpu.memory_space<hbm>> -> memref<1x8x80xi32, #tpu.memory_space<hbm>>
      %dma_wait3A_137 = tpu.memref_squeeze %dma_wait3A_136 : memref<1x8x80xi32, #tpu.memory_space<hbm>> -> memref<8x80xi32, #tpu.memory_space<hbm>>
      %dma_wait3A_138 = arith.constant 0 : i32
      %dma_wait3A_139 = arith.constant 0 : i32
      %dma_wait3A_140 = tpu.memref_slice %arg8[%run_scoped3A_73, %dma_wait3A_138, %dma_wait3A_139] : memref<2x8x80xi32, #tpu.memory_space<vmem>> -> memref<1x8x80xi32, #tpu.memory_space<vmem>>
      %dma_wait3A_141 = tpu.memref_squeeze %dma_wait3A_140 : memref<1x8x80xi32, #tpu.memory_space<vmem>> -> memref<8x80xi32, #tpu.memory_space<vmem>>
      %dma_wait3A_142 = arith.constant 0 : i32
      %dma_wait3A_143 = arith.constant 0 : i32
      %dma_wait3A_144 = tpu.memref_slice %arg3[%add3A_72, %dma_wait3A_142, %dma_wait3A_143] : memref<4000x8x80xi32, #tpu.memory_space<hbm>> -> memref<1x8x80xi32, #tpu.memory_space<hbm>>
      %dma_wait3A_145 = tpu.memref_squeeze %dma_wait3A_144 : memref<1x8x80xi32, #tpu.memory_space<hbm>> -> memref<8x80xi32, #tpu.memory_space<hbm>>
      tpu.wait_dma2 semaphore(%run_scoped3A_113 : memref<!tpu.dma_semaphore, #tpu.memory_space<semaphore_mem>>) src(%dma_wait3A_145 : memref<8x80xi32, #tpu.memory_space<hbm>>) dst(%dma_wait3A_141 : memref<8x80xi32, #tpu.memory_space<vmem>>)
      tpu.yield
    }) : () -> ()
    %dma_start3A_74 = arith.constant 1 : i32
    %dma_start3A_75 = arith.constant 2 : i32
    %dma_start3A_76 = arith.constant 1 : i32
    %dma_start3A_77 = arith.constant 0 : i32
    %dma_start3A_78 = arith.constant 0 : i32
    %dma_start3A_79 = tpu.memref_slice %arg9[%dma_start3A_76, %dma_start3A_77, %dma_start3A_78] : memref<2x80x128xf32, #tpu.memory_space<vmem>> -> memref<1x80x128xf32, #tpu.memory_space<vmem>>
    %dma_start3A_80 = tpu.memref_squeeze %dma_start3A_79 : memref<1x80x128xf32, #tpu.memory_space<vmem>> -> memref<80x128xf32, #tpu.memory_space<vmem>>
    %dma_start3A_81 = arith.constant 0 : i32
    %dma_start3A_82 = tpu.memref_slice %arg8[%dma_start3A_74, %dma_start3A_75, %dma_start3A_81] : memref<2x8x80xi32, #tpu.memory_space<vmem>> -> memref<1x1x80xi32, #tpu.memory_space<vmem>>
    %dma_start3A_83 = tpu.memref_squeeze %dma_start3A_82 : memref<1x1x80xi32, #tpu.memory_space<vmem>> -> memref<80xi32, #tpu.memory_space<vmem>>
    %dma_start3A_84 = arith.constant 0 : i32
    %dma_start3A_85 = arith.constant 0 : i32
    %dma_start3A_86 = tpu.memref_slice %arg4[%dma_start3A_84, %dma_start3A_85] : memref<512x128xf32, #tpu.memory_space<hbm>> -> memref<512x128xf32, #tpu.memory_space<hbm>>
    tpu.enqueue_indirect_dma source(%dma_start3A_86 : memref<512x128xf32, #tpu.memory_space<hbm>>) target(%dma_start3A_80 : memref<80x128xf32, #tpu.memory_space<vmem>>) offsets(%dma_start3A_83 : memref<80xi32, #tpu.memory_space<vmem>>) semaphore(%arg11 : memref<!tpu.dma_semaphore, #tpu.memory_space<semaphore_mem>>)
    %scan3A_87 = arith.constant 0 : i32
    %scan3A_88 = arith.constant 0 : i32
    %scan3A_89 = arith.constant 62 : i32
    %scan3A_90 = arith.addi %scan3A_88, %scan3A_89 : i32
    %scan3A_91 = arith.constant 1 : i32
    scf.for %scan3A_113 = %scan3A_88 to %scan3A_90 step %scan3A_91  : i32 {
      %mul3A_114 = arith.constant 2 : i32
      %mul3A_115 = arith.muli %mul3A_114, %scan3A_113 : i32
      %dma_wait3A_116 = arith.constant 0 : i32
      %dma_wait3A_117 = arith.constant 2 : i32
      %dma_wait3A_118 = arith.constant 0 : i32
      %dma_wait3A_119 = arith.constant 0 : i32
      %dma_wait3A_120 = arith.constant 0 : i32
      %dma_wait3A_121 = tpu.memref_slice %arg9[%dma_wait3A_118, %dma_wait3A_119, %dma_wait3A_120] : memref<2x80x128xf32, #tpu.memory_space<vmem>> -> memref<1x80x128xf32, #tpu.memory_space<vmem>>
      %dma_wait3A_122 = tpu.memref_squeeze %dma_wait3A_121 : memref<1x80x128xf32, #tpu.memory_space<vmem>> -> memref<80x128xf32, #tpu.memory_space<vmem>>
      %dma_wait3A_123 = arith.constant 0 : i32
      %dma_wait3A_124 = tpu.memref_slice %arg8[%dma_wait3A_116, %dma_wait3A_117, %dma_wait3A_123] : memref<2x8x80xi32, #tpu.memory_space<vmem>> -> memref<1x1x80xi32, #tpu.memory_space<vmem>>
      %dma_wait3A_125 = tpu.memref_squeeze %dma_wait3A_124 : memref<1x1x80xi32, #tpu.memory_space<vmem>> -> memref<80xi32, #tpu.memory_space<vmem>>
      %dma_wait3A_126 = arith.constant 0 : i32
      %dma_wait3A_127 = arith.constant 0 : i32
      %dma_wait3A_128 = tpu.memref_slice %arg4[%dma_wait3A_126, %dma_wait3A_127] : memref<512x128xf32, #tpu.memory_space<hbm>> -> memref<512x128xf32, #tpu.memory_space<hbm>>
      tpu.wait_indirect_dma semaphore(%arg10 : memref<!tpu.dma_semaphore, #tpu.memory_space<semaphore_mem>>) src(%dma_wait3A_128 : memref<512x128xf32, #tpu.memory_space<hbm>>) dst(%dma_wait3A_122 : memref<80x128xf32, #tpu.memory_space<vmem>>)
      %run_scoped3A_129 = arith.constant 0 : i32
      %run_scoped3A_130 = arith.constant 0 : i32
      %run_scoped3A_131 = arith.constant 3 : i32
      "tpu.region"() ({
        %run_scoped3A_159 = tpu.sem_alloc : memref<!tpu.dma_semaphore, #tpu.memory_space<semaphore_mem>>
        %dma_start3A_160 = arith.constant 0 : i32
        %dma_start3A_161 = arith.constant 0 : i32
        %dma_start3A_162 = tpu.memref_slice %arg9[%run_scoped3A_129, %dma_start3A_160, %dma_start3A_161] : memref<2x80x128xf32, #tpu.memory_space<vmem>> -> memref<1x80x128xf32, #tpu.memory_space<vmem>>
        %dma_start3A_163 = tpu.memref_squeeze %dma_start3A_162 : memref<1x80x128xf32, #tpu.memory_space<vmem>> -> memref<80x128xf32, #tpu.memory_space<vmem>>
        %dma_start3A_164 = arith.constant 0 : i32
        %dma_start3A_165 = tpu.memref_slice %arg8[%run_scoped3A_130, %run_scoped3A_131, %dma_start3A_164] : memref<2x8x80xi32, #tpu.memory_space<vmem>> -> memref<1x1x80xi32, #tpu.memory_space<vmem>>
        %dma_start3A_166 = tpu.memref_squeeze %dma_start3A_165 : memref<1x1x80xi32, #tpu.memory_space<vmem>> -> memref<80xi32, #tpu.memory_space<vmem>>
        %dma_start3A_167 = arith.constant 0 : i32
        %dma_start3A_168 = arith.constant 0 : i32
        %dma_start3A_169 = tpu.memref_slice %arg7[%dma_start3A_167, %dma_start3A_168] : memref<11392x128xf32, #tpu.memory_space<vmem_shared>> -> memref<11392x128xf32, #tpu.memory_space<vmem_shared>>
        tpu.enqueue_indirect_dma source(%dma_start3A_163 : memref<80x128xf32, #tpu.memory_space<vmem>>) target(%dma_start3A_169 : memref<11392x128xf32, #tpu.memory_space<vmem_shared>>) offsets(%dma_start3A_166 : memref<80xi32, #tpu.memory_space<vmem>>) semaphore(%run_scoped3A_159 : memref<!tpu.dma_semaphore, #tpu.memory_space<semaphore_mem>>) {add = true}
        %dma_wait3A_170 = arith.constant 0 : i32
        %dma_wait3A_171 = arith.constant 0 : i32
        %dma_wait3A_172 = tpu.memref_slice %arg9[%run_scoped3A_129, %dma_wait3A_170, %dma_wait3A_171] : memref<2x80x128xf32, #tpu.memory_space<vmem>> -> memref<1x80x128xf32, #tpu.memory_space<vmem>>
        %dma_wait3A_173 = tpu.memref_squeeze %dma_wait3A_172 : memref<1x80x128xf32, #tpu.memory_space<vmem>> -> memref<80x128xf32, #tpu.memory_space<vmem>>
        %dma_wait3A_174 = arith.constant 0 : i32
        %dma_wait3A_175 = tpu.memref_slice %arg8[%run_scoped3A_130, %run_scoped3A_131, %dma_wait3A_174] : memref<2x8x80xi32, #tpu.memory_space<vmem>> -> memref<1x1x80xi32, #tpu.memory_space<vmem>>
        %dma_wait3A_176 = tpu.memref_squeeze %dma_wait3A_175 : memref<1x1x80xi32, #tpu.memory_space<vmem>> -> memref<80xi32, #tpu.memory_space<vmem>>
        %dma_wait3A_177 = arith.constant 0 : i32
        %dma_wait3A_178 = arith.constant 0 : i32
        %dma_wait3A_179 = tpu.memref_slice %arg7[%dma_wait3A_177, %dma_wait3A_178] : memref<11392x128xf32, #tpu.memory_space<vmem_shared>> -> memref<11392x128xf32, #tpu.memory_space<vmem_shared>>
        tpu.wait_indirect_dma semaphore(%run_scoped3A_159 : memref<!tpu.dma_semaphore, #tpu.memory_space<semaphore_mem>>) src(%dma_wait3A_173 : memref<80x128xf32, #tpu.memory_space<vmem>>) dst(%dma_wait3A_179 : memref<11392x128xf32, #tpu.memory_space<vmem_shared>>)
        tpu.yield
      }) : () -> ()
      %add3A_132 = arith.constant 2 : i32
      %add3A_133 = arith.addi %mul3A_115, %add3A_132 : i32
      %lt3A = arith.constant 125 : i32
      %lt3A_134 = arith.cmpi slt, %add3A_133, %lt3A : i32
      %convert_element_type3A = arith.extui %lt3A_134 : i1 to i32
      %cond3A = arith.constant 0 : i32
      %cond3A_135 = arith.cmpi ne, %convert_element_type3A, %cond3A : i32
      scf.if %cond3A_135 {
        %add3A_159 = arith.constant 2 : i32
        %add3A_160 = arith.addi %mul3A_115, %add3A_159 : i32
        %add3A_161 = arith.addi %mul3A_4, %add3A_160 : i32
        %run_scoped3A_162 = arith.constant 0 : i32
        "tpu.region"() ({
          %run_scoped3A_176 = tpu.sem_alloc : memref<!tpu.dma_semaphore, #tpu.memory_space<semaphore_mem>>
          %dma_start3A_177 = arith.constant 0 : i32
          %dma_start3A_178 = arith.constant 0 : i32
          %dma_start3A_179 = tpu.memref_slice %arg8[%run_scoped3A_162, %dma_start3A_177, %dma_start3A_178] : memref<2x8x80xi32, #tpu.memory_space<vmem>> -> memref<1x8x80xi32, #tpu.memory_space<vmem>>
          %dma_start3A_180 = tpu.memref_squeeze %dma_start3A_179 : memref<1x8x80xi32, #tpu.memory_space<vmem>> -> memref<8x80xi32, #tpu.memory_space<vmem>>
          %dma_start3A_181 = arith.constant 0 : i32
          %dma_start3A_182 = arith.constant 0 : i32
          %dma_start3A_183 = tpu.memref_slice %arg3[%add3A_161, %dma_start3A_181, %dma_start3A_182] : memref<4000x8x80xi32, #tpu.memory_space<hbm>> -> memref<1x8x80xi32, #tpu.memory_space<hbm>>
          %dma_start3A_184 = tpu.memref_squeeze %dma_start3A_183 : memref<1x8x80xi32, #tpu.memory_space<hbm>> -> memref<8x80xi32, #tpu.memory_space<hbm>>
          %dma_start3A_185 = arith.constant 0 : i32
          %dma_start3A_186 = arith.constant 0 : i32
          %dma_start3A_187 = tpu.memref_slice %arg8[%run_scoped3A_162, %dma_start3A_185, %dma_start3A_186] : memref<2x8x80xi32, #tpu.memory_space<vmem>> -> memref<1x8x80xi32, #tpu.memory_space<vmem>>
          %dma_start3A_188 = tpu.memref_squeeze %dma_start3A_187 : memref<1x8x80xi32, #tpu.memory_space<vmem>> -> memref<8x80xi32, #tpu.memory_space<vmem>>
          %dma_start3A_189 = arith.constant 0 : i32
          %dma_start3A_190 = arith.constant 0 : i32
          %dma_start3A_191 = tpu.memref_slice %arg3[%add3A_161, %dma_start3A_189, %dma_start3A_190] : memref<4000x8x80xi32, #tpu.memory_space<hbm>> -> memref<1x8x80xi32, #tpu.memory_space<hbm>>
          %dma_start3A_192 = tpu.memref_squeeze %dma_start3A_191 : memref<1x8x80xi32, #tpu.memory_space<hbm>> -> memref<8x80xi32, #tpu.memory_space<hbm>>
          tpu.enqueue_dma source(%dma_start3A_192 : memref<8x80xi32, #tpu.memory_space<hbm>>) target(%dma_start3A_188 : memref<8x80xi32, #tpu.memory_space<vmem>>) target_semaphore(%run_scoped3A_176 : memref<!tpu.dma_semaphore, #tpu.memory_space<semaphore_mem>>)
          %dma_wait3A_193 = arith.constant 0 : i32
          %dma_wait3A_194 = arith.constant 0 : i32
          %dma_wait3A_195 = tpu.memref_slice %arg8[%run_scoped3A_162, %dma_wait3A_193, %dma_wait3A_194] : memref<2x8x80xi32, #tpu.memory_space<vmem>> -> memref<1x8x80xi32, #tpu.memory_space<vmem>>
          %dma_wait3A_196 = tpu.memref_squeeze %dma_wait3A_195 : memref<1x8x80xi32, #tpu.memory_space<vmem>> -> memref<8x80xi32, #tpu.memory_space<vmem>>
          %dma_wait3A_197 = arith.constant 0 : i32
          %dma_wait3A_198 = arith.constant 0 : i32
          %dma_wait3A_199 = tpu.memref_slice %arg3[%add3A_161, %dma_wait3A_197, %dma_wait3A_198] : memref<4000x8x80xi32, #tpu.memory_space<hbm>> -> memref<1x8x80xi32, #tpu.memory_space<hbm>>
          %dma_wait3A_200 = tpu.memref_squeeze %dma_wait3A_199 : memref<1x8x80xi32, #tpu.memory_space<hbm>> -> memref<8x80xi32, #tpu.memory_space<hbm>>
          %dma_wait3A_201 = arith.constant 0 : i32
          %dma_wait3A_202 = arith.constant 0 : i32
          %dma_wait3A_203 = tpu.memref_slice %arg8[%run_scoped3A_162, %dma_wait3A_201, %dma_wait3A_202] : memref<2x8x80xi32, #tpu.memory_space<vmem>> -> memref<1x8x80xi32, #tpu.memory_space<vmem>>
          %dma_wait3A_204 = tpu.memref_squeeze %dma_wait3A_203 : memref<1x8x80xi32, #tpu.memory_space<vmem>> -> memref<8x80xi32, #tpu.memory_space<vmem>>
          %dma_wait3A_205 = arith.constant 0 : i32
          %dma_wait3A_206 = arith.constant 0 : i32
          %dma_wait3A_207 = tpu.memref_slice %arg3[%add3A_161, %dma_wait3A_205, %dma_wait3A_206] : memref<4000x8x80xi32, #tpu.memory_space<hbm>> -> memref<1x8x80xi32, #tpu.memory_space<hbm>>
          %dma_wait3A_208 = tpu.memref_squeeze %dma_wait3A_207 : memref<1x8x80xi32, #tpu.memory_space<hbm>> -> memref<8x80xi32, #tpu.memory_space<hbm>>
          tpu.wait_dma2 semaphore(%run_scoped3A_176 : memref<!tpu.dma_semaphore, #tpu.memory_space<semaphore_mem>>) src(%dma_wait3A_208 : memref<8x80xi32, #tpu.memory_space<hbm>>) dst(%dma_wait3A_204 : memref<8x80xi32, #tpu.memory_space<vmem>>)
          tpu.yield
        }) : () -> ()
        %dma_start3A_163 = arith.constant 0 : i32
        %dma_start3A_164 = arith.constant 2 : i32
        %dma_start3A_165 = arith.constant 0 : i32
        %dma_start3A_166 = arith.constant 0 : i32
        %dma_start3A_167 = arith.constant 0 : i32
        %dma_start3A_168 = tpu.memref_slice %arg9[%dma_start3A_165, %dma_start3A_166, %dma_start3A_167] : memref<2x80x128xf32, #tpu.memory_space<vmem>> -> memref<1x80x128xf32, #tpu.memory_space<vmem>>
        %dma_start3A_169 = tpu.memref_squeeze %dma_start3A_168 : memref<1x80x128xf32, #tpu.memory_space<vmem>> -> memref<80x128xf32, #tpu.memory_space<vmem>>
        %dma_start3A_170 = arith.constant 0 : i32
        %dma_start3A_171 = tpu.memref_slice %arg8[%dma_start3A_163, %dma_start3A_164, %dma_start3A_170] : memref<2x8x80xi32, #tpu.memory_space<vmem>> -> memref<1x1x80xi32, #tpu.memory_space<vmem>>
        %dma_start3A_172 = tpu.memref_squeeze %dma_start3A_171 : memref<1x1x80xi32, #tpu.memory_space<vmem>> -> memref<80xi32, #tpu.memory_space<vmem>>
        %dma_start3A_173 = arith.constant 0 : i32
        %dma_start3A_174 = arith.constant 0 : i32
        %dma_start3A_175 = tpu.memref_slice %arg4[%dma_start3A_173, %dma_start3A_174] : memref<512x128xf32, #tpu.memory_space<hbm>> -> memref<512x128xf32, #tpu.memory_space<hbm>>
        tpu.enqueue_indirect_dma source(%dma_start3A_175 : memref<512x128xf32, #tpu.memory_space<hbm>>) target(%dma_start3A_169 : memref<80x128xf32, #tpu.memory_space<vmem>>) offsets(%dma_start3A_172 : memref<80xi32, #tpu.memory_space<vmem>>) semaphore(%arg10 : memref<!tpu.dma_semaphore, #tpu.memory_space<semaphore_mem>>)
      } else {
      }
      %dma_wait3A_136 = arith.constant 1 : i32
      %dma_wait3A_137 = arith.constant 2 : i32
      %dma_wait3A_138 = arith.constant 1 : i32
      %dma_wait3A_139 = arith.constant 0 : i32
      %dma_wait3A_140 = arith.constant 0 : i32
      %dma_wait3A_141 = tpu.memref_slice %arg9[%dma_wait3A_138, %dma_wait3A_139, %dma_wait3A_140] : memref<2x80x128xf32, #tpu.memory_space<vmem>> -> memref<1x80x128xf32, #tpu.memory_space<vmem>>
      %dma_wait3A_142 = tpu.memref_squeeze %dma_wait3A_141 : memref<1x80x128xf32, #tpu.memory_space<vmem>> -> memref<80x128xf32, #tpu.memory_space<vmem>>
      %dma_wait3A_143 = arith.constant 0 : i32
      %dma_wait3A_144 = tpu.memref_slice %arg8[%dma_wait3A_136, %dma_wait3A_137, %dma_wait3A_143] : memref<2x8x80xi32, #tpu.memory_space<vmem>> -> memref<1x1x80xi32, #tpu.memory_space<vmem>>
      %dma_wait3A_145 = tpu.memref_squeeze %dma_wait3A_144 : memref<1x1x80xi32, #tpu.memory_space<vmem>> -> memref<80xi32, #tpu.memory_space<vmem>>
      %dma_wait3A_146 = arith.constant 0 : i32
      %dma_wait3A_147 = arith.constant 0 : i32
      %dma_wait3A_148 = tpu.memref_slice %arg4[%dma_wait3A_146, %dma_wait3A_147] : memref<512x128xf32, #tpu.memory_space<hbm>> -> memref<512x128xf32, #tpu.memory_space<hbm>>
      tpu.wait_indirect_dma semaphore(%arg11 : memref<!tpu.dma_semaphore, #tpu.memory_space<semaphore_mem>>) src(%dma_wait3A_148 : memref<512x128xf32, #tpu.memory_space<hbm>>) dst(%dma_wait3A_142 : memref<80x128xf32, #tpu.memory_space<vmem>>)
      %run_scoped3A_149 = arith.constant 1 : i32
      %run_scoped3A_150 = arith.constant 1 : i32
      %run_scoped3A_151 = arith.constant 3 : i32
      "tpu.region"() ({
        %run_scoped3A_159 = tpu.sem_alloc : memref<!tpu.dma_semaphore, #tpu.memory_space<semaphore_mem>>
        %dma_start3A_160 = arith.constant 0 : i32
        %dma_start3A_161 = arith.constant 0 : i32
        %dma_start3A_162 = tpu.memref_slice %arg9[%run_scoped3A_149, %dma_start3A_160, %dma_start3A_161] : memref<2x80x128xf32, #tpu.memory_space<vmem>> -> memref<1x80x128xf32, #tpu.memory_space<vmem>>
        %dma_start3A_163 = tpu.memref_squeeze %dma_start3A_162 : memref<1x80x128xf32, #tpu.memory_space<vmem>> -> memref<80x128xf32, #tpu.memory_space<vmem>>
        %dma_start3A_164 = arith.constant 0 : i32
        %dma_start3A_165 = tpu.memref_slice %arg8[%run_scoped3A_150, %run_scoped3A_151, %dma_start3A_164] : memref<2x8x80xi32, #tpu.memory_space<vmem>> -> memref<1x1x80xi32, #tpu.memory_space<vmem>>
        %dma_start3A_166 = tpu.memref_squeeze %dma_start3A_165 : memref<1x1x80xi32, #tpu.memory_space<vmem>> -> memref<80xi32, #tpu.memory_space<vmem>>
        %dma_start3A_167 = arith.constant 0 : i32
        %dma_start3A_168 = arith.constant 0 : i32
        %dma_start3A_169 = tpu.memref_slice %arg7[%dma_start3A_167, %dma_start3A_168] : memref<11392x128xf32, #tpu.memory_space<vmem_shared>> -> memref<11392x128xf32, #tpu.memory_space<vmem_shared>>
        tpu.enqueue_indirect_dma source(%dma_start3A_163 : memref<80x128xf32, #tpu.memory_space<vmem>>) target(%dma_start3A_169 : memref<11392x128xf32, #tpu.memory_space<vmem_shared>>) offsets(%dma_start3A_166 : memref<80xi32, #tpu.memory_space<vmem>>) semaphore(%run_scoped3A_159 : memref<!tpu.dma_semaphore, #tpu.memory_space<semaphore_mem>>) {add = true}
        %dma_wait3A_170 = arith.constant 0 : i32
        %dma_wait3A_171 = arith.constant 0 : i32
        %dma_wait3A_172 = tpu.memref_slice %arg9[%run_scoped3A_149, %dma_wait3A_170, %dma_wait3A_171] : memref<2x80x128xf32, #tpu.memory_space<vmem>> -> memref<1x80x128xf32, #tpu.memory_space<vmem>>
        %dma_wait3A_173 = tpu.memref_squeeze %dma_wait3A_172 : memref<1x80x128xf32, #tpu.memory_space<vmem>> -> memref<80x128xf32, #tpu.memory_space<vmem>>
        %dma_wait3A_174 = arith.constant 0 : i32
        %dma_wait3A_175 = tpu.memref_slice %arg8[%run_scoped3A_150, %run_scoped3A_151, %dma_wait3A_174] : memref<2x8x80xi32, #tpu.memory_space<vmem>> -> memref<1x1x80xi32, #tpu.memory_space<vmem>>
        %dma_wait3A_176 = tpu.memref_squeeze %dma_wait3A_175 : memref<1x1x80xi32, #tpu.memory_space<vmem>> -> memref<80xi32, #tpu.memory_space<vmem>>
        %dma_wait3A_177 = arith.constant 0 : i32
        %dma_wait3A_178 = arith.constant 0 : i32
        %dma_wait3A_179 = tpu.memref_slice %arg7[%dma_wait3A_177, %dma_wait3A_178] : memref<11392x128xf32, #tpu.memory_space<vmem_shared>> -> memref<11392x128xf32, #tpu.memory_space<vmem_shared>>
        tpu.wait_indirect_dma semaphore(%run_scoped3A_159 : memref<!tpu.dma_semaphore, #tpu.memory_space<semaphore_mem>>) src(%dma_wait3A_173 : memref<80x128xf32, #tpu.memory_space<vmem>>) dst(%dma_wait3A_179 : memref<11392x128xf32, #tpu.memory_space<vmem_shared>>)
        tpu.yield
      }) : () -> ()
      %add3A_152 = arith.constant 3 : i32
      %add3A_153 = arith.addi %mul3A_115, %add3A_152 : i32
      %lt3A_154 = arith.constant 125 : i32
      %lt3A_155 = arith.cmpi slt, %add3A_153, %lt3A_154 : i32
      %convert_element_type3A_156 = arith.extui %lt3A_155 : i1 to i32
      %cond3A_157 = arith.constant 0 : i32
      %cond3A_158 = arith.cmpi ne, %convert_element_type3A_156, %cond3A_157 : i32
      scf.if %cond3A_158 {
        %add3A_159 = arith.constant 3 : i32
        %add3A_160 = arith.addi %mul3A_115, %add3A_159 : i32
        %add3A_161 = arith.addi %mul3A_4, %add3A_160 : i32
        %run_scoped3A_162 = arith.constant 1 : i32
        "tpu.region"() ({
          %run_scoped3A_176 = tpu.sem_alloc : memref<!tpu.dma_semaphore, #tpu.memory_space<semaphore_mem>>
          %dma_start3A_177 = arith.constant 0 : i32
          %dma_start3A_178 = arith.constant 0 : i32
          %dma_start3A_179 = tpu.memref_slice %arg8[%run_scoped3A_162, %dma_start3A_177, %dma_start3A_178] : memref<2x8x80xi32, #tpu.memory_space<vmem>> -> memref<1x8x80xi32, #tpu.memory_space<vmem>>
          %dma_start3A_180 = tpu.memref_squeeze %dma_start3A_179 : memref<1x8x80xi32, #tpu.memory_space<vmem>> -> memref<8x80xi32, #tpu.memory_space<vmem>>
          %dma_start3A_181 = arith.constant 0 : i32
          %dma_start3A_182 = arith.constant 0 : i32
          %dma_start3A_183 = tpu.memref_slice %arg3[%add3A_161, %dma_start3A_181, %dma_start3A_182] : memref<4000x8x80xi32, #tpu.memory_space<hbm>> -> memref<1x8x80xi32, #tpu.memory_space<hbm>>
          %dma_start3A_184 = tpu.memref_squeeze %dma_start3A_183 : memref<1x8x80xi32, #tpu.memory_space<hbm>> -> memref<8x80xi32, #tpu.memory_space<hbm>>
          %dma_start3A_185 = arith.constant 0 : i32
          %dma_start3A_186 = arith.constant 0 : i32
          %dma_start3A_187 = tpu.memref_slice %arg8[%run_scoped3A_162, %dma_start3A_185, %dma_start3A_186] : memref<2x8x80xi32, #tpu.memory_space<vmem>> -> memref<1x8x80xi32, #tpu.memory_space<vmem>>
          %dma_start3A_188 = tpu.memref_squeeze %dma_start3A_187 : memref<1x8x80xi32, #tpu.memory_space<vmem>> -> memref<8x80xi32, #tpu.memory_space<vmem>>
          %dma_start3A_189 = arith.constant 0 : i32
          %dma_start3A_190 = arith.constant 0 : i32
          %dma_start3A_191 = tpu.memref_slice %arg3[%add3A_161, %dma_start3A_189, %dma_start3A_190] : memref<4000x8x80xi32, #tpu.memory_space<hbm>> -> memref<1x8x80xi32, #tpu.memory_space<hbm>>
          %dma_start3A_192 = tpu.memref_squeeze %dma_start3A_191 : memref<1x8x80xi32, #tpu.memory_space<hbm>> -> memref<8x80xi32, #tpu.memory_space<hbm>>
          tpu.enqueue_dma source(%dma_start3A_192 : memref<8x80xi32, #tpu.memory_space<hbm>>) target(%dma_start3A_188 : memref<8x80xi32, #tpu.memory_space<vmem>>) target_semaphore(%run_scoped3A_176 : memref<!tpu.dma_semaphore, #tpu.memory_space<semaphore_mem>>)
          %dma_wait3A_193 = arith.constant 0 : i32
          %dma_wait3A_194 = arith.constant 0 : i32
          %dma_wait3A_195 = tpu.memref_slice %arg8[%run_scoped3A_162, %dma_wait3A_193, %dma_wait3A_194] : memref<2x8x80xi32, #tpu.memory_space<vmem>> -> memref<1x8x80xi32, #tpu.memory_space<vmem>>
          %dma_wait3A_196 = tpu.memref_squeeze %dma_wait3A_195 : memref<1x8x80xi32, #tpu.memory_space<vmem>> -> memref<8x80xi32, #tpu.memory_space<vmem>>
          %dma_wait3A_197 = arith.constant 0 : i32
          %dma_wait3A_198 = arith.constant 0 : i32
          %dma_wait3A_199 = tpu.memref_slice %arg3[%add3A_161, %dma_wait3A_197, %dma_wait3A_198] : memref<4000x8x80xi32, #tpu.memory_space<hbm>> -> memref<1x8x80xi32, #tpu.memory_space<hbm>>
          %dma_wait3A_200 = tpu.memref_squeeze %dma_wait3A_199 : memref<1x8x80xi32, #tpu.memory_space<hbm>> -> memref<8x80xi32, #tpu.memory_space<hbm>>
          %dma_wait3A_201 = arith.constant 0 : i32
          %dma_wait3A_202 = arith.constant 0 : i32
          %dma_wait3A_203 = tpu.memref_slice %arg8[%run_scoped3A_162, %dma_wait3A_201, %dma_wait3A_202] : memref<2x8x80xi32, #tpu.memory_space<vmem>> -> memref<1x8x80xi32, #tpu.memory_space<vmem>>
          %dma_wait3A_204 = tpu.memref_squeeze %dma_wait3A_203 : memref<1x8x80xi32, #tpu.memory_space<vmem>> -> memref<8x80xi32, #tpu.memory_space<vmem>>
          %dma_wait3A_205 = arith.constant 0 : i32
          %dma_wait3A_206 = arith.constant 0 : i32
          %dma_wait3A_207 = tpu.memref_slice %arg3[%add3A_161, %dma_wait3A_205, %dma_wait3A_206] : memref<4000x8x80xi32, #tpu.memory_space<hbm>> -> memref<1x8x80xi32, #tpu.memory_space<hbm>>
          %dma_wait3A_208 = tpu.memref_squeeze %dma_wait3A_207 : memref<1x8x80xi32, #tpu.memory_space<hbm>> -> memref<8x80xi32, #tpu.memory_space<hbm>>
          tpu.wait_dma2 semaphore(%run_scoped3A_176 : memref<!tpu.dma_semaphore, #tpu.memory_space<semaphore_mem>>) src(%dma_wait3A_208 : memref<8x80xi32, #tpu.memory_space<hbm>>) dst(%dma_wait3A_204 : memref<8x80xi32, #tpu.memory_space<vmem>>)
          tpu.yield
        }) : () -> ()
        %dma_start3A_163 = arith.constant 1 : i32
        %dma_start3A_164 = arith.constant 2 : i32
        %dma_start3A_165 = arith.constant 1 : i32
        %dma_start3A_166 = arith.constant 0 : i32
        %dma_start3A_167 = arith.constant 0 : i32
        %dma_start3A_168 = tpu.memref_slice %arg9[%dma_start3A_165, %dma_start3A_166, %dma_start3A_167] : memref<2x80x128xf32, #tpu.memory_space<vmem>> -> memref<1x80x128xf32, #tpu.memory_space<vmem>>
        %dma_start3A_169 = tpu.memref_squeeze %dma_start3A_168 : memref<1x80x128xf32, #tpu.memory_space<vmem>> -> memref<80x128xf32, #tpu.memory_space<vmem>>
        %dma_start3A_170 = arith.constant 0 : i32
        %dma_start3A_171 = tpu.memref_slice %arg8[%dma_start3A_163, %dma_start3A_164, %dma_start3A_170] : memref<2x8x80xi32, #tpu.memory_space<vmem>> -> memref<1x1x80xi32, #tpu.memory_space<vmem>>
        %dma_start3A_172 = tpu.memref_squeeze %dma_start3A_171 : memref<1x1x80xi32, #tpu.memory_space<vmem>> -> memref<80xi32, #tpu.memory_space<vmem>>
        %dma_start3A_173 = arith.constant 0 : i32
        %dma_start3A_174 = arith.constant 0 : i32
        %dma_start3A_175 = tpu.memref_slice %arg4[%dma_start3A_173, %dma_start3A_174] : memref<512x128xf32, #tpu.memory_space<hbm>> -> memref<512x128xf32, #tpu.memory_space<hbm>>
        tpu.enqueue_indirect_dma source(%dma_start3A_175 : memref<512x128xf32, #tpu.memory_space<hbm>>) target(%dma_start3A_169 : memref<80x128xf32, #tpu.memory_space<vmem>>) offsets(%dma_start3A_172 : memref<80xi32, #tpu.memory_space<vmem>>) semaphore(%arg11 : memref<!tpu.dma_semaphore, #tpu.memory_space<semaphore_mem>>)
      } else {
      }
    }
    %scan3A_92 = arith.constant 62 : i32
    %dma_wait3A_93 = arith.constant 0 : i32
    %dma_wait3A_94 = arith.constant 2 : i32
    %dma_wait3A_95 = arith.constant 0 : i32
    %dma_wait3A_96 = arith.constant 0 : i32
    %dma_wait3A_97 = arith.constant 0 : i32
    %dma_wait3A_98 = tpu.memref_slice %arg9[%dma_wait3A_95, %dma_wait3A_96, %dma_wait3A_97] : memref<2x80x128xf32, #tpu.memory_space<vmem>> -> memref<1x80x128xf32, #tpu.memory_space<vmem>>
    %dma_wait3A_99 = tpu.memref_squeeze %dma_wait3A_98 : memref<1x80x128xf32, #tpu.memory_space<vmem>> -> memref<80x128xf32, #tpu.memory_space<vmem>>
    %dma_wait3A_100 = arith.constant 0 : i32
    %dma_wait3A_101 = tpu.memref_slice %arg8[%dma_wait3A_93, %dma_wait3A_94, %dma_wait3A_100] : memref<2x8x80xi32, #tpu.memory_space<vmem>> -> memref<1x1x80xi32, #tpu.memory_space<vmem>>
    %dma_wait3A_102 = tpu.memref_squeeze %dma_wait3A_101 : memref<1x1x80xi32, #tpu.memory_space<vmem>> -> memref<80xi32, #tpu.memory_space<vmem>>
    %dma_wait3A_103 = arith.constant 0 : i32
    %dma_wait3A_104 = arith.constant 0 : i32
    %dma_wait3A_105 = tpu.memref_slice %arg4[%dma_wait3A_103, %dma_wait3A_104] : memref<512x128xf32, #tpu.memory_space<hbm>> -> memref<512x128xf32, #tpu.memory_space<hbm>>
    tpu.wait_indirect_dma semaphore(%arg10 : memref<!tpu.dma_semaphore, #tpu.memory_space<semaphore_mem>>) src(%dma_wait3A_105 : memref<512x128xf32, #tpu.memory_space<hbm>>) dst(%dma_wait3A_99 : memref<80x128xf32, #tpu.memory_space<vmem>>)
    %run_scoped3A_106 = arith.constant 0 : i32
    %run_scoped3A_107 = arith.constant 0 : i32
    %run_scoped3A_108 = arith.constant 3 : i32
    "tpu.region"() ({
      %run_scoped3A_113 = tpu.sem_alloc : memref<!tpu.dma_semaphore, #tpu.memory_space<semaphore_mem>>
      %dma_start3A_114 = arith.constant 0 : i32
      %dma_start3A_115 = arith.constant 0 : i32
      %dma_start3A_116 = tpu.memref_slice %arg9[%run_scoped3A_106, %dma_start3A_114, %dma_start3A_115] : memref<2x80x128xf32, #tpu.memory_space<vmem>> -> memref<1x80x128xf32, #tpu.memory_space<vmem>>
      %dma_start3A_117 = tpu.memref_squeeze %dma_start3A_116 : memref<1x80x128xf32, #tpu.memory_space<vmem>> -> memref<80x128xf32, #tpu.memory_space<vmem>>
      %dma_start3A_118 = arith.constant 0 : i32
      %dma_start3A_119 = tpu.memref_slice %arg8[%run_scoped3A_107, %run_scoped3A_108, %dma_start3A_118] : memref<2x8x80xi32, #tpu.memory_space<vmem>> -> memref<1x1x80xi32, #tpu.memory_space<vmem>>
      %dma_start3A_120 = tpu.memref_squeeze %dma_start3A_119 : memref<1x1x80xi32, #tpu.memory_space<vmem>> -> memref<80xi32, #tpu.memory_space<vmem>>
      %dma_start3A_121 = arith.constant 0 : i32
      %dma_start3A_122 = arith.constant 0 : i32
      %dma_start3A_123 = tpu.memref_slice %arg7[%dma_start3A_121, %dma_start3A_122] : memref<11392x128xf32, #tpu.memory_space<vmem_shared>> -> memref<11392x128xf32, #tpu.memory_space<vmem_shared>>
      tpu.enqueue_indirect_dma source(%dma_start3A_117 : memref<80x128xf32, #tpu.memory_space<vmem>>) target(%dma_start3A_123 : memref<11392x128xf32, #tpu.memory_space<vmem_shared>>) offsets(%dma_start3A_120 : memref<80xi32, #tpu.memory_space<vmem>>) semaphore(%run_scoped3A_113 : memref<!tpu.dma_semaphore, #tpu.memory_space<semaphore_mem>>) {add = true}
      %dma_wait3A_124 = arith.constant 0 : i32
      %dma_wait3A_125 = arith.constant 0 : i32
      %dma_wait3A_126 = tpu.memref_slice %arg9[%run_scoped3A_106, %dma_wait3A_124, %dma_wait3A_125] : memref<2x80x128xf32, #tpu.memory_space<vmem>> -> memref<1x80x128xf32, #tpu.memory_space<vmem>>
      %dma_wait3A_127 = tpu.memref_squeeze %dma_wait3A_126 : memref<1x80x128xf32, #tpu.memory_space<vmem>> -> memref<80x128xf32, #tpu.memory_space<vmem>>
      %dma_wait3A_128 = arith.constant 0 : i32
      %dma_wait3A_129 = tpu.memref_slice %arg8[%run_scoped3A_107, %run_scoped3A_108, %dma_wait3A_128] : memref<2x8x80xi32, #tpu.memory_space<vmem>> -> memref<1x1x80xi32, #tpu.memory_space<vmem>>
      %dma_wait3A_130 = tpu.memref_squeeze %dma_wait3A_129 : memref<1x1x80xi32, #tpu.memory_space<vmem>> -> memref<80xi32, #tpu.memory_space<vmem>>
      %dma_wait3A_131 = arith.constant 0 : i32
      %dma_wait3A_132 = arith.constant 0 : i32
      %dma_wait3A_133 = tpu.memref_slice %arg7[%dma_wait3A_131, %dma_wait3A_132] : memref<11392x128xf32, #tpu.memory_space<vmem_shared>> -> memref<11392x128xf32, #tpu.memory_space<vmem_shared>>
      tpu.wait_indirect_dma semaphore(%run_scoped3A_113 : memref<!tpu.dma_semaphore, #tpu.memory_space<semaphore_mem>>) src(%dma_wait3A_127 : memref<80x128xf32, #tpu.memory_space<vmem>>) dst(%dma_wait3A_133 : memref<11392x128xf32, #tpu.memory_space<vmem_shared>>)
      tpu.yield
    }) : () -> ()
    %barrier3A_109 = arith.constant 0 : index
    tpu.barrier barrier_id(%barrier3A_109)
    %mul3A_110 = arith.constant 11392 : i32
    %mul3A_111 = arith.muli %arg0, %mul3A_110 : i32
    %add3A_112 = arith.addi %mul3A_111, %mul3A_2 : i32
    "tpu.region"() ({
      %run_scoped3A_113 = tpu.sem_alloc : memref<!tpu.dma_semaphore, #tpu.memory_space<semaphore_mem>>
      %dma_start3A_114 = arith.constant 0 : i32
      %dma_start3A_115 = tpu.memref_slice %arg6[%add3A_112, %dma_start3A_114] : memref<22784x128xf32, #tpu.memory_space<hbm>> -> memref<712x128xf32, #tpu.memory_space<hbm>>
      %dma_start3A_116 = arith.constant 0 : i32
      %dma_start3A_117 = tpu.memref_slice %arg7[%mul3A_2, %dma_start3A_116] : memref<11392x128xf32, #tpu.memory_space<vmem_shared>> -> memref<712x128xf32, #tpu.memory_space<vmem_shared>>
      tpu.enqueue_dma source(%dma_start3A_117 : memref<712x128xf32, #tpu.memory_space<vmem_shared>>) target(%dma_start3A_115 : memref<712x128xf32, #tpu.memory_space<hbm>>) target_semaphore(%run_scoped3A_113 : memref<!tpu.dma_semaphore, #tpu.memory_space<semaphore_mem>>)
      %dma_wait3A_118 = arith.constant 0 : i32
      %dma_wait3A_119 = tpu.memref_slice %arg6[%add3A_112, %dma_wait3A_118] : memref<22784x128xf32, #tpu.memory_space<hbm>> -> memref<712x128xf32, #tpu.memory_space<hbm>>
      %dma_wait3A_120 = arith.constant 0 : i32
      %dma_wait3A_121 = tpu.memref_slice %arg7[%mul3A_2, %dma_wait3A_120] : memref<11392x128xf32, #tpu.memory_space<vmem_shared>> -> memref<712x128xf32, #tpu.memory_space<vmem_shared>>
      tpu.wait_dma2 semaphore(%run_scoped3A_113 : memref<!tpu.dma_semaphore, #tpu.memory_space<semaphore_mem>>) src(%dma_wait3A_121 : memref<712x128xf32, #tpu.memory_space<vmem_shared>>) dst(%dma_wait3A_119 : memref<712x128xf32, #tpu.memory_space<hbm>>)
      tpu.yield
    }) : () -> ()
    return
  }
}

module attributes {stable_mosaic.version = 14 : i64} {
  func.func @_tc_layer1(%arg0: memref<22784x128xf32, #tpu.memory_space<vmem>>, %arg1: memref<10112x16xf32, #tpu.memory_space<vmem>>, %arg2: memref<10112x16xf32, #tpu.memory_space<vmem>>, %arg3: memref<10000x128xf32, #tpu.memory_space<vmem>>, %arg4: memref<128x128xf32, #tpu.memory_space<vmem>>, %arg5: memref<1x128xf32, #tpu.memory_space<vmem>>, %arg6: memref<128x128xf32, #tpu.memory_space<vmem>>, %arg7: memref<1x128xf32, #tpu.memory_space<vmem>>, %arg8: memref<1x128xf32, #tpu.memory_space<vmem>>, %arg9: memref<10000x128xf32, #tpu.memory_space<vmem>>) attributes {dimension_semantics = [], scalar_prefetch = 0 : i64, scratch_operands = 0 : i64, tpu.core_type = #tpu.core_type<tc>} {
    %get3A = arith.constant 0 : index
    %get3A_0 = arith.constant 0 : index
    %get3A_1 = vector.load %arg0[%get3A, %get3A_0] : memref<22784x128xf32, #tpu.memory_space<vmem>>, vector<10000x128xf32>
    %get3A_2 = arith.constant 11392 : index
    %get3A_3 = arith.constant 0 : index
    %get3A_4 = vector.load %arg0[%get3A_2, %get3A_3] : memref<22784x128xf32, #tpu.memory_space<vmem>>, vector<10000x128xf32>
    %add3A = arith.addf %get3A_1, %get3A_4 : vector<10000x128xf32>
    %get3A_5 = arith.constant 0 : index
    %get3A_6 = arith.constant 0 : index
    %get3A_7 = vector.load %arg1[%get3A_5, %get3A_6] : memref<10112x16xf32, #tpu.memory_space<vmem>>, vector<10000x1xf32>
    %get3A_8 = arith.constant 0 : index
    %get3A_9 = arith.constant 0 : index
    %get3A_10 = vector.load %arg2[%get3A_8, %get3A_9] : memref<10112x16xf32, #tpu.memory_space<vmem>>, vector<10000x1xf32>
    %add3A_11 = arith.addf %get3A_7, %get3A_10 : vector<10000x1xf32>
    %max3A = arith.constant 1.000000e+00 : f32
    %max3A_12 = vector.broadcast %max3A : f32 to vector<10000x1xf32>
    %max3A_13 = arith.maximumf %add3A_11, %max3A_12 : vector<10000x1xf32>
    %div3A = vector.broadcast %max3A_13 : vector<10000x1xf32> to vector<10000x128xf32>
    %div3A_14 = arith.divf %add3A, %div3A : vector<10000x128xf32>
    %get3A_15 = arith.constant 0 : index
    %get3A_16 = arith.constant 0 : index
    %get3A_17 = vector.load %arg4[%get3A_15, %get3A_16] : memref<128x128xf32, #tpu.memory_space<vmem>>, vector<128x128xf32>
    %dot_general3A = arith.constant dense<0.000000e+00> : vector<10000x128xf32>
    %dot_general3A_18 = tpu.matmul %div3A_14, %get3A_17, %dot_general3A {dimension_numbers = #tpu.dot_dimension_numbers<[1], [0], [0], [1], [0, 0, 1, 1], [], []>, transpose_lhs_hint = false} : vector<10000x128xf32>, vector<128x128xf32>, vector<10000x128xf32> -> vector<10000x128xf32>
    %get3A_19 = arith.constant 0 : index
    %get3A_20 = arith.constant 0 : index
    %get3A_21 = vector.load %arg3[%get3A_19, %get3A_20] : memref<10000x128xf32, #tpu.memory_space<vmem>>, vector<10000x128xf32>
    %get3A_22 = arith.constant 0 : index
    %get3A_23 = arith.constant 0 : index
    %get3A_24 = vector.load %arg6[%get3A_22, %get3A_23] : memref<128x128xf32, #tpu.memory_space<vmem>>, vector<128x128xf32>
    %dot_general3A_25 = arith.constant dense<0.000000e+00> : vector<10000x128xf32>
    %dot_general3A_26 = tpu.matmul %get3A_21, %get3A_24, %dot_general3A_25 {dimension_numbers = #tpu.dot_dimension_numbers<[1], [0], [0], [1], [0, 0, 1, 1], [], []>, transpose_lhs_hint = false} : vector<10000x128xf32>, vector<128x128xf32>, vector<10000x128xf32> -> vector<10000x128xf32>
    %add3A_27 = arith.addf %dot_general3A_18, %dot_general3A_26 : vector<10000x128xf32>
    %get3A_28 = arith.constant 0 : index
    %get3A_29 = arith.constant 0 : index
    %get3A_30 = vector.load %arg5[%get3A_28, %get3A_29] : memref<1x128xf32, #tpu.memory_space<vmem>>, vector<1x128xf32>
    %add3A_31 = vector.broadcast %get3A_30 : vector<1x128xf32> to vector<10000x128xf32>
    %add3A_32 = arith.addf %add3A_27, %add3A_31 : vector<10000x128xf32>
    %reduce_sum3A = arith.constant dense<0.000000e+00> : vector<128xf32>
    %reduce_sum3A_33 = vector.multi_reduction <add>, %add3A_32, %reduce_sum3A [0] : vector<10000x128xf32> to vector<128xf32>
    %broadcast_in_dim3A = vector.shape_cast %reduce_sum3A_33 : vector<128xf32> to vector<1x128xf32>
    %div3A_34 = arith.constant 1.000000e+04 : f32
    %div3A_35 = vector.broadcast %div3A_34 : f32 to vector<1x128xf32>
    %div3A_36 = arith.divf %broadcast_in_dim3A, %div3A_35 : vector<1x128xf32>
    %sub3A = vector.broadcast %div3A_36 : vector<1x128xf32> to vector<10000x128xf32>
    %sub3A_37 = arith.subf %add3A_32, %sub3A : vector<10000x128xf32>
    %sub3A_38 = vector.broadcast %div3A_36 : vector<1x128xf32> to vector<10000x128xf32>
    %sub3A_39 = arith.subf %add3A_32, %sub3A_38 : vector<10000x128xf32>
    %mul3A = arith.mulf %sub3A_37, %sub3A_39 : vector<10000x128xf32>
    %reduce_sum3A_40 = arith.constant dense<0.000000e+00> : vector<128xf32>
    %reduce_sum3A_41 = vector.multi_reduction <add>, %mul3A, %reduce_sum3A_40 [0] : vector<10000x128xf32> to vector<128xf32>
    %broadcast_in_dim3A_42 = vector.shape_cast %reduce_sum3A_41 : vector<128xf32> to vector<1x128xf32>
    %div3A_43 = arith.constant 1.000000e+04 : f32
    %div3A_44 = vector.broadcast %div3A_43 : f32 to vector<1x128xf32>
    %div3A_45 = arith.divf %broadcast_in_dim3A_42, %div3A_44 : vector<1x128xf32>
    %sub3A_46 = vector.broadcast %div3A_36 : vector<1x128xf32> to vector<10000x128xf32>
    %sub3A_47 = arith.subf %add3A_32, %sub3A_46 : vector<10000x128xf32>
    %add3A_48 = arith.constant 9.99999974E-6 : f32
    %add3A_49 = vector.broadcast %add3A_48 : f32 to vector<1x128xf32>
    %add3A_50 = arith.addf %div3A_45, %add3A_49 : vector<1x128xf32>
    %rsqrt3A = math.rsqrt %add3A_50 : vector<1x128xf32>
    %mul3A_51 = vector.broadcast %rsqrt3A : vector<1x128xf32> to vector<10000x128xf32>
    %mul3A_52 = arith.mulf %sub3A_47, %mul3A_51 : vector<10000x128xf32>
    %get3A_53 = arith.constant 0 : index
    %get3A_54 = arith.constant 0 : index
    %get3A_55 = vector.load %arg7[%get3A_53, %get3A_54] : memref<1x128xf32, #tpu.memory_space<vmem>>, vector<1x128xf32>
    %mul3A_56 = vector.broadcast %get3A_55 : vector<1x128xf32> to vector<10000x128xf32>
    %mul3A_57 = arith.mulf %mul3A_52, %mul3A_56 : vector<10000x128xf32>
    %get3A_58 = arith.constant 0 : index
    %get3A_59 = arith.constant 0 : index
    %get3A_60 = vector.load %arg8[%get3A_58, %get3A_59] : memref<1x128xf32, #tpu.memory_space<vmem>>, vector<1x128xf32>
    %add3A_61 = vector.broadcast %get3A_60 : vector<1x128xf32> to vector<10000x128xf32>
    %add3A_62 = arith.addf %mul3A_57, %add3A_61 : vector<10000x128xf32>
    %max3A_63 = arith.constant 0.000000e+00 : f32
    %max3A_64 = vector.broadcast %max3A_63 : f32 to vector<10000x128xf32>
    %max3A_65 = arith.maximumf %add3A_62, %max3A_64 : vector<10000x128xf32>
    %swap3A = arith.constant 0 : index
    %swap3A_66 = arith.constant 0 : index
    %swap3A_67 = vector.load %arg9[%swap3A, %swap3A_66] : memref<10000x128xf32, #tpu.memory_space<vmem>>, vector<10000x128xf32>
    tpu.vector_store %arg9[%swap3A, %swap3A_66], %max3A_65 {strides = array<i32>} : memref<10000x128xf32, #tpu.memory_space<vmem>>, vector<10000x128xf32>,
    return
  }
}

module attributes {stable_mosaic.version = 14 : i64} {
  func.func @_tc_layer2(%arg0: memref<20224x128xf32, #tpu.memory_space<vmem>>, %arg1: memref<10112x16xf32, #tpu.memory_space<vmem>>, %arg2: memref<10112x16xf32, #tpu.memory_space<vmem>>, %arg3: memref<10000x128xf32, #tpu.memory_space<vmem>>, %arg4: memref<128x128xf32, #tpu.memory_space<vmem>>, %arg5: memref<1x128xf32, #tpu.memory_space<vmem>>, %arg6: memref<128x128xf32, #tpu.memory_space<vmem>>, %arg7: memref<1x128xf32, #tpu.memory_space<vmem>>, %arg8: memref<1x128xf32, #tpu.memory_space<vmem>>, %arg9: memref<128x40xf32, #tpu.memory_space<vmem>>, %arg10: memref<1x40xf32, #tpu.memory_space<vmem>>, %arg11: memref<10000x40xf32, #tpu.memory_space<vmem>>, %arg12: memref<10000x128xf32, #tpu.memory_space<vmem>>) attributes {dimension_semantics = [], scalar_prefetch = 0 : i64, scratch_operands = 0 : i64, tpu.core_type = #tpu.core_type<tc>} {
    %get3A = arith.constant 0 : index
    %get3A_0 = arith.constant 0 : index
    %get3A_1 = vector.load %arg0[%get3A, %get3A_0] : memref<20224x128xf32, #tpu.memory_space<vmem>>, vector<10000x128xf32>
    %get3A_2 = arith.constant 10112 : index
    %get3A_3 = arith.constant 0 : index
    %get3A_4 = vector.load %arg0[%get3A_2, %get3A_3] : memref<20224x128xf32, #tpu.memory_space<vmem>>, vector<10000x128xf32>
    %add3A = arith.addf %get3A_1, %get3A_4 : vector<10000x128xf32>
    %get3A_5 = arith.constant 0 : index
    %get3A_6 = arith.constant 0 : index
    %get3A_7 = vector.load %arg1[%get3A_5, %get3A_6] : memref<10112x16xf32, #tpu.memory_space<vmem>>, vector<10000x1xf32>
    %get3A_8 = arith.constant 0 : index
    %get3A_9 = arith.constant 0 : index
    %get3A_10 = vector.load %arg2[%get3A_8, %get3A_9] : memref<10112x16xf32, #tpu.memory_space<vmem>>, vector<10000x1xf32>
    %add3A_11 = arith.addf %get3A_7, %get3A_10 : vector<10000x1xf32>
    %max3A = arith.constant 1.000000e+00 : f32
    %max3A_12 = vector.broadcast %max3A : f32 to vector<10000x1xf32>
    %max3A_13 = arith.maximumf %add3A_11, %max3A_12 : vector<10000x1xf32>
    %div3A = vector.broadcast %max3A_13 : vector<10000x1xf32> to vector<10000x128xf32>
    %div3A_14 = arith.divf %add3A, %div3A : vector<10000x128xf32>
    %get3A_15 = arith.constant 0 : index
    %get3A_16 = arith.constant 0 : index
    %get3A_17 = vector.load %arg4[%get3A_15, %get3A_16] : memref<128x128xf32, #tpu.memory_space<vmem>>, vector<128x128xf32>
    %dot_general3A = arith.constant dense<0.000000e+00> : vector<10000x128xf32>
    %dot_general3A_18 = tpu.matmul %div3A_14, %get3A_17, %dot_general3A {dimension_numbers = #tpu.dot_dimension_numbers<[1], [0], [0], [1], [0, 0, 1, 1], [], []>, transpose_lhs_hint = false} : vector<10000x128xf32>, vector<128x128xf32>, vector<10000x128xf32> -> vector<10000x128xf32>
    %get3A_19 = arith.constant 0 : index
    %get3A_20 = arith.constant 0 : index
    %get3A_21 = vector.load %arg3[%get3A_19, %get3A_20] : memref<10000x128xf32, #tpu.memory_space<vmem>>, vector<10000x128xf32>
    %get3A_22 = arith.constant 0 : index
    %get3A_23 = arith.constant 0 : index
    %get3A_24 = vector.load %arg6[%get3A_22, %get3A_23] : memref<128x128xf32, #tpu.memory_space<vmem>>, vector<128x128xf32>
    %dot_general3A_25 = arith.constant dense<0.000000e+00> : vector<10000x128xf32>
    %dot_general3A_26 = tpu.matmul %get3A_21, %get3A_24, %dot_general3A_25 {dimension_numbers = #tpu.dot_dimension_numbers<[1], [0], [0], [1], [0, 0, 1, 1], [], []>, transpose_lhs_hint = false} : vector<10000x128xf32>, vector<128x128xf32>, vector<10000x128xf32> -> vector<10000x128xf32>
    %add3A_27 = arith.addf %dot_general3A_18, %dot_general3A_26 : vector<10000x128xf32>
    %get3A_28 = arith.constant 0 : index
    %get3A_29 = arith.constant 0 : index
    %get3A_30 = vector.load %arg5[%get3A_28, %get3A_29] : memref<1x128xf32, #tpu.memory_space<vmem>>, vector<1x128xf32>
    %add3A_31 = vector.broadcast %get3A_30 : vector<1x128xf32> to vector<10000x128xf32>
    %add3A_32 = arith.addf %add3A_27, %add3A_31 : vector<10000x128xf32>
    %reduce_sum3A = arith.constant dense<0.000000e+00> : vector<128xf32>
    %reduce_sum3A_33 = vector.multi_reduction <add>, %add3A_32, %reduce_sum3A [0] : vector<10000x128xf32> to vector<128xf32>
    %broadcast_in_dim3A = vector.shape_cast %reduce_sum3A_33 : vector<128xf32> to vector<1x128xf32>
    %div3A_34 = arith.constant 1.000000e+04 : f32
    %div3A_35 = vector.broadcast %div3A_34 : f32 to vector<1x128xf32>
    %div3A_36 = arith.divf %broadcast_in_dim3A, %div3A_35 : vector<1x128xf32>
    %sub3A = vector.broadcast %div3A_36 : vector<1x128xf32> to vector<10000x128xf32>
    %sub3A_37 = arith.subf %add3A_32, %sub3A : vector<10000x128xf32>
    %sub3A_38 = vector.broadcast %div3A_36 : vector<1x128xf32> to vector<10000x128xf32>
    %sub3A_39 = arith.subf %add3A_32, %sub3A_38 : vector<10000x128xf32>
    %mul3A = arith.mulf %sub3A_37, %sub3A_39 : vector<10000x128xf32>
    %reduce_sum3A_40 = arith.constant dense<0.000000e+00> : vector<128xf32>
    %reduce_sum3A_41 = vector.multi_reduction <add>, %mul3A, %reduce_sum3A_40 [0] : vector<10000x128xf32> to vector<128xf32>
    %broadcast_in_dim3A_42 = vector.shape_cast %reduce_sum3A_41 : vector<128xf32> to vector<1x128xf32>
    %div3A_43 = arith.constant 1.000000e+04 : f32
    %div3A_44 = vector.broadcast %div3A_43 : f32 to vector<1x128xf32>
    %div3A_45 = arith.divf %broadcast_in_dim3A_42, %div3A_44 : vector<1x128xf32>
    %sub3A_46 = vector.broadcast %div3A_36 : vector<1x128xf32> to vector<10000x128xf32>
    %sub3A_47 = arith.subf %add3A_32, %sub3A_46 : vector<10000x128xf32>
    %add3A_48 = arith.constant 9.99999974E-6 : f32
    %add3A_49 = vector.broadcast %add3A_48 : f32 to vector<1x128xf32>
    %add3A_50 = arith.addf %div3A_45, %add3A_49 : vector<1x128xf32>
    %rsqrt3A = math.rsqrt %add3A_50 : vector<1x128xf32>
    %mul3A_51 = vector.broadcast %rsqrt3A : vector<1x128xf32> to vector<10000x128xf32>
    %mul3A_52 = arith.mulf %sub3A_47, %mul3A_51 : vector<10000x128xf32>
    %get3A_53 = arith.constant 0 : index
    %get3A_54 = arith.constant 0 : index
    %get3A_55 = vector.load %arg7[%get3A_53, %get3A_54] : memref<1x128xf32, #tpu.memory_space<vmem>>, vector<1x128xf32>
    %mul3A_56 = vector.broadcast %get3A_55 : vector<1x128xf32> to vector<10000x128xf32>
    %mul3A_57 = arith.mulf %mul3A_52, %mul3A_56 : vector<10000x128xf32>
    %get3A_58 = arith.constant 0 : index
    %get3A_59 = arith.constant 0 : index
    %get3A_60 = vector.load %arg8[%get3A_58, %get3A_59] : memref<1x128xf32, #tpu.memory_space<vmem>>, vector<1x128xf32>
    %add3A_61 = vector.broadcast %get3A_60 : vector<1x128xf32> to vector<10000x128xf32>
    %add3A_62 = arith.addf %mul3A_57, %add3A_61 : vector<10000x128xf32>
    %max3A_63 = arith.constant 0.000000e+00 : f32
    %max3A_64 = vector.broadcast %max3A_63 : f32 to vector<10000x128xf32>
    %max3A_65 = arith.maximumf %add3A_62, %max3A_64 : vector<10000x128xf32>
    %swap3A = arith.constant 0 : index
    %swap3A_66 = arith.constant 0 : index
    %swap3A_67 = vector.load %arg12[%swap3A, %swap3A_66] : memref<10000x128xf32, #tpu.memory_space<vmem>>, vector<10000x128xf32>
    tpu.vector_store %arg12[%swap3A, %swap3A_66], %max3A_65 {strides = array<i32>} : memref<10000x128xf32, #tpu.memory_space<vmem>>, vector<10000x128xf32>,
    %get3A_68 = arith.constant 0 : index
    %get3A_69 = arith.constant 0 : index
    %get3A_70 = vector.load %arg9[%get3A_68, %get3A_69] : memref<128x40xf32, #tpu.memory_space<vmem>>, vector<128x40xf32>
    %dot_general3A_71 = arith.constant dense<0.000000e+00> : vector<10000x40xf32>
    %dot_general3A_72 = tpu.matmul %max3A_65, %get3A_70, %dot_general3A_71 {dimension_numbers = #tpu.dot_dimension_numbers<[1], [0], [0], [1], [0, 0, 1, 1], [], []>, transpose_lhs_hint = false} : vector<10000x128xf32>, vector<128x40xf32>, vector<10000x40xf32> -> vector<10000x40xf32>
    %get3A_73 = arith.constant 0 : index
    %get3A_74 = arith.constant 0 : index
    %get3A_75 = vector.load %arg10[%get3A_73, %get3A_74] : memref<1x40xf32, #tpu.memory_space<vmem>>, vector<1x40xf32>
    %add3A_76 = vector.broadcast %get3A_75 : vector<1x40xf32> to vector<10000x40xf32>
    %add3A_77 = arith.addf %dot_general3A_72, %add3A_76 : vector<10000x40xf32>
    %swap3A_78 = arith.constant 0 : index
    %swap3A_79 = arith.constant 0 : index
    %swap3A_80 = vector.load %arg11[%swap3A_78, %swap3A_79] : memref<10000x40xf32, #tpu.memory_space<vmem>>, vector<10000x40xf32>
    tpu.vector_store %arg11[%swap3A_78, %swap3A_79], %add3A_77 {strides = array<i32>} : memref<10000x40xf32, #tpu.memory_space<vmem>>, vector<10000x40xf32>,
    return
  }
}

</mosaic_0001>

<sc_bundles>
// kernel: kernel.6.cloned.1.call-start
scs
__scs_entry_jumppad:
0x0: {  	(pc) =	sbr.rel $0x88, $3  }
0x1: {  	(tag) =	ssettag $0x0;
	lr =	simm.s32 $0x1  }
0x2: {  	[smem:$0x3F93] =	sst lr;
	_ =	strace $0xD0000000  }
0x3: {  	_ = 	snop  }
0x4: {  	_ = 	snop  }
0x5: {  	_ = 	snop  }
0x6: {  	_ = 	snop  }
0x7: {  	_ = 	snop  }
__scs_overlays_trampoline_lowered:
0x8: {  	[smem:$0x3FA2] =	sst s0  }
0x9: {  	[smem:$0x3FA3] =	sst s1  }
0xa: {  	[smem:$0x3FA4] =	sst s2  }
0xb: {  	[smem:$0x3FA5] =	sst s3  }
0xc: {  	[smem:$0x3FA6] =	sst s4  }
0xd: {  	[smem:$0x3FA7] =	sst s5  }
0xe: {  	[smem:$0x3FA8] =	sst s6  }
0xf: {  	[smem:$0x3FA9] =	sst s7  }
0x10: {  	[smem:$0x3FAA] =	sst s8  }
0x11: {  	[smem:$0x3FAB] =	sst s9;
	s0 =	simm.s32 @!p0 $0x0  }
0x12: {  	s1 =	sld [smem:$0x3F91];
	s0 =	simm.s32 @p0 $0x1  }
0x13: {  	[smem:$0x3FAC] =	sst s0;
	s0 =	simm.s32 @!p1 $0x0  }
0x14: {  	s2 =	sld [smem:$0x3F90];
	s0 =	simm.s32 @p1 $0x1  }
0x15: {  	[smem:$0x3FAD] =	sst s0;
	s0 =	simm.s32 @!p2 $0x0  }
0x16: {  	s3 =	sld [smem:$0x3FDB];
	s0 =	simm.s32 @p2 $0x1  }
0x17: {  	s4 =	simm.s32 $0x1BF5;
	[smem:$0x3FAF] =	sst s0  }
0x18: {  	s0 =	sld [smem:$0x3F92];
	_ =	swait.ge [sflag:s4], $0x0  }
0x19: {  	s7 =	sld [smem:$0x3F93]  }
0x1a: {  	s8 =	sadd.s32 $0xFFFFE003, lr  }
0x1b: {  	s9 =	sadd.s32 $0xFFFFFEF7, lr;
	s5 =	simm.s32 $0xFFFFFFFF;
	p2 =	slt.u32 s8, $0xFFFFF086  }
0x1c: {  	p1 =	slt.u32 s9, $0xF7A;
	s5 =	simm.s32 @!p2 $0x0  }
0x1d: {  	s5 =	simm.s32 @p1 $0x1;
	p0 =	seq.s32 s7, s2  }
0x1e: {  	s7 =	smul.u32 @!p0 $0xF7A, s2;
	p2 =	seq.s32 @!p0 s5, $0x0  }
0x1f: {  	s9 =	smul.u32 $0xF7A, s1;
	s8 =	simm.s32 @!p0 $0x1BF5;
	p2 =	por !p2, p0  }
0x20: {  	[sflag:s8] =	ssyncset.s32 @!p0 $0xFFFFF086;
	s6 =	sadd.s32 @!p0 s3, s7;
	s7 =	simm.s32 @!p0 $0x108  }
0x21: {  	s3 =	sadd.s32 s3, s9;
	s6 =	sadd.s32 @!p0 $0x88, s6;
	s7 =	simm.s32 @p2 $0x1082  }
0x22: {  	[simem:s7], [sflag:s8] =	dma.local @!p0 [hbm:s6], $0xF7A  }
0x23: {  	s9 =	sor.u32 $0xD0000000, s2;
	s6 =	simm.s32 $0x108;
	_ =	swait.ge @!p0 [sflag:s8], $0x0  }
0x24: {  	s3 =	sadd.s32 $0x88, s3;
	s6 =	simm.s32 @!p1 $0x1082;
	[sflag:s4] =	ssyncset.s32 $0xFFFFF086  }
0x25: {  	[simem:s6], [sflag:s4] =	dma.local [hbm:s3], $0xF7A  }
0x26: {  	[smem:$0x3F93] =	sst s1;
	(tag) =	ssettag s2;
	_ =	strace s9  }
0x27: {  	s1 =	sld [smem:$0x3FA3]  }
0x28: {  	s2 =	sld [smem:$0x3FA4]  }
0x29: {  	s4 =	sld [smem:$0x3FA6]  }
0x2a: {  	p0 =	seq.s32 s5, $0x0;
	s5 =	sld [smem:$0x3FA7]  }
0x2b: {  	s6 =	sld [smem:$0x3FA8]  }
0x2c: {  	s7 =	sld [smem:$0x3FA9]  }
0x2d: {  	s3 =	simm.s32 $0x108;
	s8 =	sld [smem:$0x3FAA]  }
0x2e: {  	s3 =	simm.s32 @!p0 $0x1082;
	s9 =	sld [smem:$0x3FAB]  }
0x2f: {  	lr =	sadd.s32 s0, s3;
	s0 =	sld [smem:$0x3FA2]  }
0x30: {  	s3 =	sld [smem:$0x3FA5]  }
0x31: {  	[smem:$0x3FAE] =	sst s10  }
0x32: {  	s10 =	sld [smem:$0x3FAC];
	_ =	sdelay $0x3  }
0x33: {  	p0 =	seq.s32 s10, $0x1;
	s10 =	sld [smem:$0x3FAE];
	_ =	sdelay $0x3  }
0x34: {  	[smem:$0x3FAE] =	sst s10  }
0x35: {  	s10 =	sld [smem:$0x3FAD];
	_ =	sdelay $0x3  }
0x36: {  	p1 =	seq.s32 s10, $0x1;
	s10 =	sld [smem:$0x3FAE];
	_ =	sdelay $0x3  }
0x37: {  	[smem:$0x3FAE] =	sst s10  }
0x38: {  	s10 =	sld [smem:$0x3FAF]  }
0x39: {  	_ = 	snop;
	(pc) =	sbr.ind lr, $3  }
0x3a: {  	_ = 	snop  }
0x3b: {  	_ = 	snop  }
0x3c: {  	p2 =	seq.s32 s10, $0x1;
	s10 =	sld [smem:$0x3FAE]  }
0x3d: {  	_ =	shalt  }
0x3e: {  	_ =	shalt  }
0x3f: {  	_ =	shalt  }
0x40: {  	_ =	shalt  }
0x41: {  	_ =	shalt  }
0x42: {  	_ =	shalt  }
0x43: {  	_ =	shalt  }
0x44: {  	_ =	shalt  }
0x45: {  	_ =	shalt  }
0x46: {  	_ =	shalt  }
0x47: {  	_ =	shalt  }
0x48: {  	_ =	shalt  }
0x49: {  	_ =	shalt  }
0x4a: {  	_ =	shalt  }
0x4b: {  	_ =	shalt  }
0x4c: {  	_ =	shalt  }
0x4d: {  	_ =	shalt  }
0x4e: {  	_ =	shalt  }
0x4f: {  	_ =	shalt  }
0x50: {  	_ =	shalt  }
0x51: {  	_ =	shalt  }
0x52: {  	_ =	shalt  }
0x53: {  	_ =	shalt  }
0x54: {  	_ =	shalt  }
0x55: {  	_ =	shalt  }
0x56: {  	_ =	shalt  }
0x57: {  	_ =	shalt  }
0x58: {  	_ =	shalt  }
0x59: {  	_ =	shalt  }
0x5a: {  	_ =	shalt  }
0x5b: {  	_ =	shalt  }
0x5c: {  	_ =	shalt  }
0x5d: {  	_ =	shalt  }
0x5e: {  	_ =	shalt  }
0x5f: {  	_ =	shalt  }
0x60: {  	_ =	shalt  }
0x61: {  	_ =	shalt  }
0x62: {  	_ =	shalt  }
0x63: {  	_ =	shalt  }
0x64: {  	_ =	shalt  }
0x65: {  	_ =	shalt  }
0x66: {  	_ =	shalt  }
0x67: {  	_ =	shalt  }
0x68: {  	_ =	shalt  }
0x69: {  	_ =	shalt  }
0x6a: {  	_ =	shalt  }
0x6b: {  	_ =	shalt  }
0x6c: {  	_ =	shalt  }
0x6d: {  	_ =	shalt  }
0x6e: {  	_ =	shalt  }
0x6f: {  	_ =	shalt  }
0x70: {  	_ =	shalt  }
0x71: {  	_ =	shalt  }
0x72: {  	_ =	shalt  }
0x73: {  	_ =	shalt  }
0x74: {  	_ =	shalt  }
0x75: {  	_ =	shalt  }
0x76: {  	_ =	shalt  }
0x77: {  	_ =	shalt  }
0x78: {  	_ =	shalt  }
0x79: {  	_ =	shalt  }
0x7a: {  	_ =	shalt  }
0x7b: {  	_ =	shalt  }
0x7c: {  	_ =	shalt  }
0x7d: {  	_ =	shalt  }
0x7e: {  	_ =	shalt  }
0x7f: {  	_ =	shalt  }
0x80: {  	_ =	shalt  }
0x81: {  	_ =	shalt  }
0x82: {  	_ =	shalt  }
0x83: {  	_ =	shalt  }
0x84: {  	_ =	shalt  }
0x85: {  	_ =	shalt  }
0x86: {  	_ =	shalt  }
0x87: {  	_ =	shalt  }
.Lfunc_end0:
.L_simem_size_0:
called_computation_lowered:
.L_overlay_start_0:
0x88: {  	s2 =	sld [smem:$0x3FD9]  }
0x89: {  	s3 =	sld [smem:$0x3FFE];
	_ =	sdelay $0x1  }
0x8a: {  	s1 =	srdreg.scid  }
0x8b: {  	s0 =	sand.u32 $0x1, s1  }
0x8c: {  	s14 =	sshll.u32 s0, $0xA;
	s2 =	sadd.s32 s3, s2  }
0x8d: {  	s2 =	sadd.s32 s2, s14  }
0x8e: {  	[smem:$0x3FBA] =	sst s2  }
0x8f: {  	_ = 	snop  }
0x90: {  	s2 =	sld [smem:$0x3FD0];
	_ =	sdelay $0x2  }
0x91: {  	s4 =	simm.s32 $0xA;
	s5 =	simm.s32 $0x10;
	s15 =	sld [smem:$0x3FC9]  }
0x92: {  	[smem:s5], [sflag:s4] =	dma.local [hbm:s2], $0x1  }
0x93: {  	_ =	swait.eq [sflag:s4], $0x1  }
0x94: {  	[sflag:s4] =	ssyncset.done $0x0  }
0x95: {  	[sflag:s4] =	ssyncadd.s32 $0xFFFFFFFF  }
0x96: {  	s16 =	sld [smem:$0x10];
	(tm) =	ssettm $0x1  }
0x97: {  	s17 =	sld [smem:$0x3FFB];
	_ =	sdelay $0x3  }
0x98: {  	_ =	strace s17  }
0x99: {  	s4 =	sld [smem:$0x3FFC];
	_ =	sdelay $0x3  }
0x9a: {  	_ =	strace s4  }
0x9b: {  	s4 =	sld [smem:$0x3FFD];
	_ =	sdelay $0x3  }
0x9c: {  	_ =	strace s4  }
0x9d: {  	_ =	strace $0x8FFFFFFF  }
0x9e: {  	s18 =	sld [smem:$0x3FDB];
	_ =	sdelay $0x1  }
0x9f: {  	s19 =	simm.s32 $_scs_section_size  }
0xa0: {  	s6 =	simm.s32 $_size__tile_overlayer_lowered;
	s7 =	simm.s32 $_tile_overlayer_lowered  }
0xa1: {  	s22 =	simm.s32 $0x1BFF;
	s21 =	sshll.u32 s7, $0x1;
	s4 =	sadd.s32 s19, s18  }
0xa2: {  	s8 =	simm.s32 $0x0;
	s20 =	sshll.u32 s6, $0x1;
	s6 =	sadd.s32 s21, s4  }
0xa3: {  	[timem:s8], [sflag:s22] =	dma.local [hbm:s6], s20  }
0xa4: {  	_ =	swait.ge [sflag:s22], s20  }
0xa5: {  	s5 =	ssub.s32 $0x0, s20;
	[sflag:s22] =	ssyncset.done $0x0  }
0xa6: {  	[sflag:s22] =	ssyncadd.s32 s5;
	_ =	sdelay $0x1  }
0xa7: {  	s23 =	simm.s32 $0x1B8B  }
0xa8: {  	_ =	swait.ge [sflag:s23], $0x1  }
0xa9: {  	[sflag:s23] =	ssyncset.done $0x0  }
0xaa: {  	s25 =	simm.s32 $0x1B8E;
	s24 =	sld [smem:$0x3FFE];
	[sflag:s23] =	ssyncadd.s32 $0xFFFFFFFF  }
0xab: {  	s26 =	simm.s32 $execute0_lowered;
	[smem:$0x3FD2] =	sst s25  }
0xac: {  	s6 =	sshll.u32 s26, $0x1;
	_ =	strace $0x80000046;
	[dreg:$0x1] =	wrdreg $0xFFFFFFFF  }
0xad: {  	s28 =	simm.s32 $_size_execute0_lowered;
	s4 =	sadd.s32 s4, s6;
	[dreg:$0x0] =	wrdreg $0x0  }
0xae: {  	s6 =	sshll.u32 s28, $0x1;
	[dreg:$0x2] =	wrdreg s4  }
0xaf: {  	[dreg:$0x3] =	wrdreg s6  }
0xb0: {  	[dreg:$0x4] =	wrdreg $0xC0  }
0xb1: {  	_ =	task [dreg:s8], $0x5FFFF  }
0xb2: {  	[dreg:$0x1] =	wrdreg $0xFFFFFFFF  }
0xb3: {  	[dreg:$0x0] =	wrdreg $0x60  }
0xb4: {  	[dreg:$0x2] =	wrdreg s15  }
0xb5: {  	[dreg:$0x3] =	wrdreg s24  }
0xb6: {  	[dreg:$0x4] =	wrdreg s16  }
0xb7: {  	[dreg:$0x5] =	wrdreg $0x0  }
0xb8: {  	[dreg:$0x6] =	wrdreg $0x9  }
0xb9: {  	_ =	task.clear_ibuf [dreg:s8], $0x7FFFF;
	_ =	strace $0x90000046  }
0xba: {  	s29 =	simm.s32 $0x9;
	_ =	strace $0x80000048  }
0xbb: {  	_ =	swait.ge [sflag:s29], $0x1  }
0xbc: {  	[sflag:s29] =	ssyncadd.s32 $0xFFFFFFFF  }
0xbd: {  	_ =	strace $0x90000048  }
0xbe: {  	_ =	sfence  }
0xbf: {  	s30 =	sld [smem:$0x0];
	_ =	sdelay $0x2  }
0xc0: {  	s31 =	sshll.u32 s1, $0xD;
	s1 =	sshrl.u32 s1, $0x2  }
0xc1: {  	s3 =	sand.u32 $0x4000, s31;
	s1 =	sadd.s32 s1, s30  }
0xc2: {  	s0 =	sor.u32 s3, s0;
	s1 =	sshll.u32 s1, $0x11  }
0xc3: {  	s0 =	sor.u32 s1, s0  }
0xc4: {  	s0 =	sadd.s32 $0x8F2B, s0  }
0xc5: {  	[sflag:s0] =	ssyncadd.remote.s32 $0x1  }
0xc6: {  	_ =	sfence.sel $0xFFFF  }
0xc7: {  	[dreg:$0x0] =	wrdreg $0xFFFFFFFF;
	(pc) =	sbr.abs _section_cstart, $3  }
0xc8: {  	[dreg:$0x1] =	wrdreg $0xFFFFFFFF  }
0xc9: {  	_ =	task.clear_ibuf [dreg:s8], $0x2FFFF;
	_ =	strace $0x9FFFFFFF  }
0xca: {  	(tm) =	ssettm $0x7FFFFFFF  }
0xcb: {  	_ =	shalt  }
tec
execute0_lowered:
.L_overlay_start_1:
0x0: {  	(tag) =	ssettag $0x1  }
0x1: {  	s1 =	rddreg [dreg:$0x0]  }
0x2: {  	s0 =	rddreg [dreg:$0x1]  }
0x3: {  	s2 =	rddreg [dreg:$0x2]  }
0x4: {  	s4 =	rddreg [dreg:$0x3];
	s5 =	simm.s32 $0x0;
	s3 =	stileid.u32  }
0x5: {  	s6 =	srdreg.scid;
	s17 =	simm.s32 $0x16400;
	s18 =	simm.s32 $0x50  }
0x6: {  	s19 =	simm.s32 $0x16C00;
	s28 =	simm.s32 $0x16900;
	s29 =	simm.s32 $0x16580  }
0x7: {  	s30 =	simm.s32 $0x16980;
	s31 =	simm.s32 $0x0;
	s7 =	smul.u32 $0x2C80, s3  }
0x8: {  	[smem:$0x7FF] =	sst s5;
	s6 =	sand.u32 $0x1, s6;
	s11 =	smul.u32 $0x59000, s3  }
0x9: {  	s13 =	sadd.s32 $0x2A00, s0;
	s9 =	sshll.u32 s3, $0x1;
	s23 =	smul.u32 $0xFA, s3  }
0xa: {  	s24 =	sshll.u32 s3, $0x6;
	_ =	strace $0x80000047;
	s8 =	smul.u32 $0x2C800, s6  }
0xb: {  	s9 =	sor.u32 s6, s9;
	s20 =	ssub.s32 $0x2, s6;
	s16 =	smul.u32 $0x7D, s6  }
0xc: {  	s10 =	sadd.s32 s7, s0;
	s12 =	smul.u32 $0x3E80, s9;
	s21 =	sshrl.u32 s20, $0x1  }
0xd: {  	s9 =	smul.u32 $0x1F400, s9;
	s22 =	sshrl.u32 s11, $0x2;
	s7 =	sadd.s32 s7, s8  }
0xe: {  	s14 =	ssub.s32 s20, s21;
	s15 =	sadd.s32 s22, s4;
	s25 =	sadd.s32 $0x7FA00, s10  }
0xf: {  	s11 =	sadd.s32 s16, s23;
	s16 =	simm.s32 $0x3;
	s20 =	simm.s32 $0x16800  }
0x10: {  	s21 =	simm.s32 $0x19400;
	s22 =	simm.s32 $0x1;
	s23 =	simm.s32 $0x16480  }
0x11: {  	s0 =	sadd.s32 s7, s0;
	[dreg:$0x5] =	wrdreg s25;
	s7 =	sor.u32 $0x1C03, s24  }
0x12: {  	s9 =	sshrl.u32 s9, $0x3;
	s8 =	sadd.s32 s13, s12;
	s26 =	sshll.u32 s11, $0x7  }
0x13: {  	s11 =	smax.u32 s14, $0x1;
	s15 =	sshrl.u32 s15, $0x3;
	s24 =	simm.s32 $0x2  }
0x14: {  	s25 =	simm.s32 $0x16880;
	s9 =	sadd.s32 s13, s9;
	s10 =	sadd.s32 $0xAC200, s0  }
0x15: {  	s12 =	sadd.s32 $0x3E00, s8;
	s0 =	sadd.s32 s26, s13;
	s26 =	simm.s32 $0x16500  }
0x16: {  	s9 =	sadd.s32 $0x80, s9;
	s13 =	sadd.s32 $0x180, s0;
	s14 =	sadd.s32 $0x100, s0  }
.LBB2_1:
0x17: {  	s0 =	rddreg [dreg:$0x5]  }
0x18: {  	[spmem:s15], [sflag:s7] =	dma.local [hbm:s0], $0x2C80  }
0x19: {  	_ =	swait.ge [sflag:s16], $0x2C80  }
0x1a: {  	[sflag:s16] =	ssyncset.done $0x0  }
0x1b: {  	[sflag:s16] =	ssyncadd.s32 $0xFFFFD380  }
0x1c: {  	[bflag:$0x0] =	sbarrier.arrive $0xFFFF  }
0x1d: {  	[tilespmem:s17], [sflag:$0x3] =	stream.linear.gather [hbm4b:s8+s5], $0x400, $0x38;
	[tilespmem:$0x1BC00] =	vst v63  }
0x1e: {  	_ =	swait.ge [sflag:s16], $0x400  }
0x1f: {  	[sflag:s16] =	ssyncset.done $0x0  }
0x20: {  	[sflag:s16] =	ssyncadd.s32 $0xFFFFFC00  }
0x21: {  	[tilespmem:s19], [sflag:$0x1] =	stream.indirect.gather [hbm4b:s1+s18], $0x80, s17, s18, $0xb8;
	[tilespmem:$0x1BC00] =	vst v63  }
0x22: {  	_ = 	snop  }
0x23: {  	[tilespmem:s20], [sflag:$0x3] =	stream.linear.gather [hbm4b:s9+s5], $0x400, $0x38;
	[tilespmem:$0x1BC00] =	vst v63  }
0x24: {  	_ =	swait.ge [sflag:s16], $0x400  }
0x25: {  	[sflag:s16] =	ssyncset.done $0x0  }
0x26: {  	[sflag:s16] =	ssyncadd.s32 $0xFFFFFC00  }
0x27: {  	[tilespmem:s21], [sflag:$0x2] =	stream.indirect.gather [hbm4b:s1+s18], $0x80, s20, s18, $0xb8;
	[tilespmem:$0x1BC00] =	vst v63  }
0x28: {  	_ =	swait.ge [sflag:s22], $0x2800  }
0x29: {  	[sflag:s22] =	ssyncset.done $0x0  }
0x2a: {  	[sflag:s22] =	ssyncadd.s32 $0xFFFFD800  }
0x2b: {  	[spmem:s4] =	stream.indirect.scatter.add.f32 [tilespmem:s19], [sflag:$0x3], $0x80, s23, s18, $0xb8;
	[tilespmem:$0x1BC00] =	vst v63  }
0x2c: {  	_ =	swait.ge [sflag:s16], $0x2800  }
0x2d: {  	[sflag:s16] =	ssyncset.done $0x0  }
0x2e: {  	s3 =	sadd.s32 $0x0, s14;
	[sflag:s16] =	ssyncadd.s32 $0xFFFFD800  }
0x2f: {  	[tilespmem:s17], [sflag:$0x3] =	stream.linear.gather [hbm4b:s3+s5], $0x400, $0x38;
	[tilespmem:$0x1BC00] =	vst v63  }
0x30: {  	_ =	swait.ge [sflag:s16], $0x400  }
0x31: {  	[sflag:s16] =	ssyncset.done $0x0  }
0x32: {  	[sflag:s16] =	ssyncadd.s32 $0xFFFFFC00  }
0x33: {  	[tilespmem:s19], [sflag:$0x1] =	stream.indirect.gather [hbm4b:s1+s18], $0x80, s17, s18, $0xb8;
	[tilespmem:$0x1BC00] =	vst v63  }
0x34: {  	_ =	swait.ge [sflag:s24], $0x2800  }
0x35: {  	[sflag:s24] =	ssyncset.done $0x0  }
0x36: {  	[sflag:s24] =	ssyncadd.s32 $0xFFFFD800  }
0x37: {  	[spmem:s4] =	stream.indirect.scatter.add.f32 [tilespmem:s21], [sflag:$0x3], $0x80, s25, s18, $0xb8;
	[tilespmem:$0x1BC00] =	vst v63  }
0x38: {  	_ =	swait.ge [sflag:s16], $0x2800  }
0x39: {  	[sflag:s16] =	ssyncset.done $0x0  }
0x3a: {  	s6 =	sadd.s32 $0x0, s13;
	[sflag:s16] =	ssyncadd.s32 $0xFFFFD800  }
0x3b: {  	[tilespmem:s20], [sflag:$0x3] =	stream.linear.gather [hbm4b:s6+s5], $0x400, $0x38;
	[tilespmem:$0x1BC00] =	vst v63  }
0x3c: {  	_ =	swait.ge [sflag:s16], $0x400  }
0x3d: {  	[sflag:s16] =	ssyncset.done $0x0  }
0x3e: {  	s0 =	simm.s32 $0x100;
	[sflag:s16] =	ssyncadd.s32 $0xFFFFFC00  }
.LBB2_2:
0x3f: {  	[tilespmem:s21], [sflag:$0x2] =	stream.indirect.gather [hbm4b:s1+s18], $0x80, s20, s18, $0xb8;
	[tilespmem:$0x1BC00] =	vst v63  }
0x40: {  	s3 =	smov.u32 s0  }
0x41: {  	p0 =	sne.s32 s0, $0x3C00;
	s0 =	sadd.s32 $0x100, s0;
	_ =	swait.ge [sflag:s22], $0x2800  }
0x42: {  	[sflag:s22] =	ssyncset.done $0x0  }
0x43: {  	[sflag:s22] =	ssyncadd.s32 $0xFFFFD800  }
0x44: {  	[spmem:s4] =	stream.indirect.scatter.add.f32 [tilespmem:s19], [sflag:$0x3], $0x80, s23, s18, $0xb8;
	[tilespmem:$0x1BC00] =	vst v63  }
0x45: {  	_ =	swait.ge [sflag:s16], $0x2800  }
0x46: {  	[sflag:s16] =	ssyncset.done $0x0  }
0x47: {  	s6 =	sadd.s32 s3, s14;
	[sflag:s16] =	ssyncadd.s32 $0xFFFFD800  }
0x48: {  	[tilespmem:s17], [sflag:$0x3] =	stream.linear.gather [hbm4b:s6+s5], $0x400, $0x38;
	[tilespmem:$0x1BC00] =	vst v63  }
0x49: {  	_ =	swait.ge [sflag:s16], $0x400  }
0x4a: {  	[sflag:s16] =	ssyncset.done $0x0  }
0x4b: {  	[sflag:s16] =	ssyncadd.s32 $0xFFFFFC00  }
0x4c: {  	[tilespmem:s19], [sflag:$0x1] =	stream.indirect.gather [hbm4b:s1+s18], $0x80, s17, s18, $0xb8;
	[tilespmem:$0x1BC00] =	vst v63  }
0x4d: {  	_ =	swait.ge [sflag:s24], $0x2800  }
0x4e: {  	[sflag:s24] =	ssyncset.done $0x0  }
0x4f: {  	[sflag:s24] =	ssyncadd.s32 $0xFFFFD800  }
0x50: {  	[spmem:s4] =	stream.indirect.scatter.add.f32 [tilespmem:s21], [sflag:$0x3], $0x80, s25, s18, $0xb8;
	[tilespmem:$0x1BC00] =	vst v63  }
0x51: {  	_ =	swait.ge [sflag:s16], $0x2800  }
0x52: {  	[sflag:s16] =	ssyncset.done $0x0  }
.Ltmp0:
0x53: {  	s3 =	sadd.s32 s3, s13;
	[sflag:s16] =	ssyncadd.s32 $0xFFFFD800;
	(pc) =	sbr.rel @p0 .LBB2_2-.Ltmp0, $4  }
0x54: {  	[tilespmem:s20], [sflag:$0x3] =	stream.linear.gather [hbm4b:s3+s5], $0x400, $0x38;
	[tilespmem:$0x1BC00] =	vst v63  }
0x55: {  	_ =	swait.ge [sflag:s16], $0x400  }
0x56: {  	[sflag:s16] =	ssyncset.done $0x0  }
0x57: {  	[sflag:s16] =	ssyncadd.s32 $0xFFFFFC00  }
0x58: {  	[tilespmem:s21], [sflag:$0x2] =	stream.indirect.gather [hbm4b:s1+s18], $0x80, s20, s18, $0xb8;
	[tilespmem:$0x1BC00] =	vst v63  }
0x59: {  	_ =	swait.ge [sflag:s22], $0x2800  }
0x5a: {  	[sflag:s22] =	ssyncset.done $0x0  }
0x5b: {  	[sflag:s22] =	ssyncadd.s32 $0xFFFFD800  }
0x5c: {  	[spmem:s4] =	stream.indirect.scatter.add.f32 [tilespmem:s19], [sflag:$0x3], $0x80, s23, s18, $0xb8;
	[tilespmem:$0x1BC00] =	vst v63  }
0x5d: {  	_ =	swait.ge [sflag:s16], $0x2800  }
0x5e: {  	[sflag:s16] =	ssyncset.done $0x0  }
0x5f: {  	s0 =	simm.s32 $0x0;
	[sflag:s16] =	ssyncadd.s32 $0xFFFFD800  }
0x60: {  	[tilespmem:s17], [sflag:$0x3] =	stream.linear.gather [hbm4b:s12+s0], $0x400, $0x38;
	[tilespmem:$0x1BC00] =	vst v63  }
0x61: {  	_ =	swait.ge [sflag:s16], $0x400  }
0x62: {  	[sflag:s16] =	ssyncset.done $0x0  }
0x63: {  	[sflag:s16] =	ssyncadd.s32 $0xFFFFFC00  }
0x64: {  	[tilespmem:s19], [sflag:$0x1] =	stream.indirect.gather [hbm4b:s1+s18], $0x80, s17, s18, $0xb8;
	[tilespmem:$0x1BC00] =	vst v63  }
0x65: {  	_ =	swait.ge [sflag:s24], $0x2800  }
0x66: {  	[sflag:s24] =	ssyncset.done $0x0  }
0x67: {  	[sflag:s24] =	ssyncadd.s32 $0xFFFFD800  }
0x68: {  	[spmem:s4] =	stream.indirect.scatter.add.f32 [tilespmem:s21], [sflag:$0x3], $0x80, s25, s18, $0xb8;
	[tilespmem:$0x1BC00] =	vst v63  }
0x69: {  	_ =	swait.ge [sflag:s16], $0x2800  }
0x6a: {  	[sflag:s16] =	ssyncset.done $0x0  }
0x6b: {  	[sflag:s16] =	ssyncadd.s32 $0xFFFFD800  }
0x6c: {  	_ =	swait.ge [sflag:s22], $0x2800  }
0x6d: {  	[sflag:s22] =	ssyncset.done $0x0  }
0x6e: {  	[sflag:s22] =	ssyncadd.s32 $0xFFFFD800  }
0x6f: {  	[spmem:s4] =	stream.indirect.scatter.add.f32 [tilespmem:s19], [sflag:$0x3], $0x80, s23, s18, $0xb8;
	[tilespmem:$0x1BC00] =	vst v63  }
0x70: {  	_ =	swait.ge [sflag:s16], $0x2800  }
0x71: {  	[sflag:s16] =	ssyncset.done $0x0  }
0x72: {  	[sflag:s16] =	ssyncadd.s32 $0xFFFFD800  }
0x73: {  	[tilespmem:s17], [sflag:$0x3] =	stream.linear.gather [hbm4b:s8+s0], $0x400, $0x38;
	[tilespmem:$0x1BC00] =	vst v63  }
0x74: {  	_ =	swait.ge [sflag:s16], $0x400  }
0x75: {  	[sflag:s16] =	ssyncset.done $0x0  }
0x76: {  	[sflag:s16] =	ssyncadd.s32 $0xFFFFFC00  }
0x77: {  	[tilespmem:s19], [sflag:$0x1] =	stream.indirect.gather [hbm4b:s2+s18], $0x80, s26, s18, $0xb8;
	[tilespmem:$0x1BC00] =	vst v63  }
0x78: {  	_ = 	snop  }
0x79: {  	[tilespmem:s20], [sflag:$0x3] =	stream.linear.gather [hbm4b:s9+s0], $0x400, $0x38;
	[tilespmem:$0x1BC00] =	vst v63  }
0x7a: {  	_ =	swait.ge [sflag:s16], $0x400  }
0x7b: {  	[sflag:s16] =	ssyncset.done $0x0  }
0x7c: {  	[sflag:s16] =	ssyncadd.s32 $0xFFFFFC00  }
0x7d: {  	[tilespmem:s21], [sflag:$0x2] =	stream.indirect.gather [hbm4b:s2+s18], $0x80, s28, s18, $0xb8;
	[tilespmem:$0x1BC00] =	vst v63  }
0x7e: {  	_ =	swait.ge [sflag:s22], $0x2800  }
0x7f: {  	[sflag:s22] =	ssyncset.done $0x0  }
0x80: {  	[sflag:s22] =	ssyncadd.s32 $0xFFFFD800  }
0x81: {  	[spmem:s4] =	stream.indirect.scatter.add.f32 [tilespmem:s19], [sflag:$0x3], $0x80, s29, s18, $0xb8;
	[tilespmem:$0x1BC00] =	vst v63  }
0x82: {  	_ =	swait.ge [sflag:s16], $0x2800  }
0x83: {  	[sflag:s16] =	ssyncset.done $0x0  }
0x84: {  	s3 =	sadd.s32 $0x0, s14;
	[sflag:s16] =	ssyncadd.s32 $0xFFFFD800  }
0x85: {  	[tilespmem:s17], [sflag:$0x3] =	stream.linear.gather [hbm4b:s3+s5], $0x400, $0x38;
	[tilespmem:$0x1BC00] =	vst v63  }
0x86: {  	_ =	swait.ge [sflag:s16], $0x400  }
0x87: {  	[sflag:s16] =	ssyncset.done $0x0  }
0x88: {  	[sflag:s16] =	ssyncadd.s32 $0xFFFFFC00  }
0x89: {  	[tilespmem:s19], [sflag:$0x1] =	stream.indirect.gather [hbm4b:s2+s18], $0x80, s26, s18, $0xb8;
	[tilespmem:$0x1BC00] =	vst v63  }
0x8a: {  	_ =	swait.ge [sflag:s24], $0x2800  }
0x8b: {  	[sflag:s24] =	ssyncset.done $0x0  }
0x8c: {  	[sflag:s24] =	ssyncadd.s32 $0xFFFFD800  }
0x8d: {  	[spmem:s4] =	stream.indirect.scatter.add.f32 [tilespmem:s21], [sflag:$0x3], $0x80, s30, s18, $0xb8;
	[tilespmem:$0x1BC00] =	vst v63  }
0x8e: {  	_ =	swait.ge [sflag:s16], $0x2800  }
0x8f: {  	[sflag:s16] =	ssyncset.done $0x0  }
0x90: {  	s6 =	sadd.s32 $0x0, s13;
	[sflag:s16] =	ssyncadd.s32 $0xFFFFD800  }
0x91: {  	[tilespmem:s20], [sflag:$0x3] =	stream.linear.gather [hbm4b:s6+s5], $0x400, $0x38;
	[tilespmem:$0x1BC00] =	vst v63  }
0x92: {  	_ =	swait.ge [sflag:s16], $0x400  }
0x93: {  	[sflag:s16] =	ssyncset.done $0x0  }
0x94: {  	s0 =	simm.s32 $0x100;
	[sflag:s16] =	ssyncadd.s32 $0xFFFFFC00  }
.LBB2_4:
0x95: {  	[tilespmem:s21], [sflag:$0x2] =	stream.indirect.gather [hbm4b:s2+s18], $0x80, s28, s18, $0xb8;
	[tilespmem:$0x1BC00] =	vst v63  }
0x96: {  	s3 =	smov.u32 s0  }
0x97: {  	p0 =	sne.s32 s0, $0x3C00;
	s0 =	sadd.s32 $0x100, s0;
	_ =	swait.ge [sflag:s22], $0x2800  }
0x98: {  	[sflag:s22] =	ssyncset.done $0x0  }
0x99: {  	[sflag:s22] =	ssyncadd.s32 $0xFFFFD800  }
0x9a: {  	[spmem:s4] =	stream.indirect.scatter.add.f32 [tilespmem:s19], [sflag:$0x3], $0x80, s29, s18, $0xb8;
	[tilespmem:$0x1BC00] =	vst v63  }
0x9b: {  	_ =	swait.ge [sflag:s16], $0x2800  }
0x9c: {  	[sflag:s16] =	ssyncset.done $0x0  }
0x9d: {  	s6 =	sadd.s32 s3, s14;
	[sflag:s16] =	ssyncadd.s32 $0xFFFFD800  }
0x9e: {  	[tilespmem:s17], [sflag:$0x3] =	stream.linear.gather [hbm4b:s6+s5], $0x400, $0x38;
	[tilespmem:$0x1BC00] =	vst v63  }
0x9f: {  	_ =	swait.ge [sflag:s16], $0x400  }
0xa0: {  	[sflag:s16] =	ssyncset.done $0x0  }
0xa1: {  	[sflag:s16] =	ssyncadd.s32 $0xFFFFFC00  }
0xa2: {  	[tilespmem:s19], [sflag:$0x1] =	stream.indirect.gather [hbm4b:s2+s18], $0x80, s26, s18, $0xb8;
	[tilespmem:$0x1BC00] =	vst v63  }
0xa3: {  	_ =	swait.ge [sflag:s24], $0x2800  }
0xa4: {  	[sflag:s24] =	ssyncset.done $0x0  }
0xa5: {  	[sflag:s24] =	ssyncadd.s32 $0xFFFFD800  }
0xa6: {  	[spmem:s4] =	stream.indirect.scatter.add.f32 [tilespmem:s21], [sflag:$0x3], $0x80, s30, s18, $0xb8;
	[tilespmem:$0x1BC00] =	vst v63  }
0xa7: {  	_ =	swait.ge [sflag:s16], $0x2800  }
0xa8: {  	[sflag:s16] =	ssyncset.done $0x0  }
.Ltmp1:
0xa9: {  	s3 =	sadd.s32 s3, s13;
	[sflag:s16] =	ssyncadd.s32 $0xFFFFD800;
	(pc) =	sbr.rel @p0 .LBB2_4-.Ltmp1, $4  }
0xaa: {  	[tilespmem:s20], [sflag:$0x3] =	stream.linear.gather [hbm4b:s3+s5], $0x400, $0x38;
	[tilespmem:$0x1BC00] =	vst v63  }
0xab: {  	_ =	swait.ge [sflag:s16], $0x400  }
0xac: {  	[sflag:s16] =	ssyncset.done $0x0  }
0xad: {  	[sflag:s16] =	ssyncadd.s32 $0xFFFFFC00  }
0xae: {  	[tilespmem:s21], [sflag:$0x2] =	stream.indirect.gather [hbm4b:s2+s18], $0x80, s28, s18, $0xb8;
	[tilespmem:$0x1BC00] =	vst v63  }
0xaf: {  	_ =	swait.ge [sflag:s22], $0x2800  }
0xb0: {  	[sflag:s22] =	ssyncset.done $0x0  }
0xb1: {  	[sflag:s22] =	ssyncadd.s32 $0xFFFFD800  }
0xb2: {  	[spmem:s4] =	stream.indirect.scatter.add.f32 [tilespmem:s19], [sflag:$0x3], $0x80, s29, s18, $0xb8;
	[tilespmem:$0x1BC00] =	vst v63  }
0xb3: {  	_ =	swait.ge [sflag:s16], $0x2800  }
0xb4: {  	[sflag:s16] =	ssyncset.done $0x0  }
0xb5: {  	[sflag:s16] =	ssyncadd.s32 $0xFFFFD800  }
0xb6: {  	[tilespmem:s17], [sflag:$0x3] =	stream.linear.gather [hbm4b:s12+s5], $0x400, $0x38;
	[tilespmem:$0x1BC00] =	vst v63  }
0xb7: {  	_ =	swait.ge [sflag:s16], $0x400  }
0xb8: {  	[sflag:s16] =	ssyncset.done $0x0  }
0xb9: {  	[sflag:s16] =	ssyncadd.s32 $0xFFFFFC00  }
0xba: {  	[tilespmem:s19], [sflag:$0x1] =	stream.indirect.gather [hbm4b:s2+s18], $0x80, s26, s18, $0xb8;
	[tilespmem:$0x1BC00] =	vst v63  }
0xbb: {  	_ =	swait.ge [sflag:s24], $0x2800  }
0xbc: {  	[sflag:s24] =	ssyncset.done $0x0  }
0xbd: {  	[sflag:s24] =	ssyncadd.s32 $0xFFFFD800  }
0xbe: {  	[spmem:s4] =	stream.indirect.scatter.add.f32 [tilespmem:s21], [sflag:$0x3], $0x80, s30, s18, $0xb8;
	[tilespmem:$0x1BC00] =	vst v63  }
0xbf: {  	_ =	swait.ge [sflag:s16], $0x2800  }
0xc0: {  	[sflag:s16] =	ssyncset.done $0x0  }
0xc1: {  	[sflag:s16] =	ssyncadd.s32 $0xFFFFD800  }
0xc2: {  	_ =	swait.ge [sflag:s22], $0x2800  }
0xc3: {  	[sflag:s22] =	ssyncset.done $0x0  }
0xc4: {  	[sflag:s22] =	ssyncadd.s32 $0xFFFFD800  }
0xc5: {  	[spmem:s4] =	stream.indirect.scatter.add.f32 [tilespmem:s19], [sflag:$0x3], $0x80, s29, s18, $0xb8;
	[tilespmem:$0x1BC00] =	vst v63  }
0xc6: {  	_ =	swait.ge [sflag:s16], $0x2800  }
0xc7: {  	s31 =	sadd.s32 $0x1, s31;
	[sflag:s16] =	ssyncset.done $0x0  }
0xc8: {  	p0 =	sne.s32 s31, s11;
	[sflag:s16] =	ssyncadd.s32 $0xFFFFD800  }
.Ltmp2:
0xc9: {  	[bflag:$0x0] =	sbarrier.arrive $0xFFFF;
	(pc) =	sbr.rel @p0 .LBB2_1-.Ltmp2, $4  }
0xca: {  	[hbm:s10], [sflag:s7] =	dma.local [spmem:s15], $0x2C80  }
0xcb: {  	_ =	swait.ge [sflag:s16], $0x2C80  }
0xcc: {  	[sflag:s16] =	ssyncset.done $0x0  }
0xcd: {  	[sflag:s16] =	ssyncadd.s32 $0xFFFFD380  }
0xce: {  	_ =	sfence.sel $0x180000  }
0xcf: {  	[bflag:$0x0] =	sbarrier.arrive $0xFFFF  }
0xd0: {  	_ =	strace $0x90000047  }
0xd1: {  	s0 =	stileid.u32;
	[bflag:$0x2] =	sbarrier.arrive $0xFFFF  }
0xd2: {  	p0 =	sne.s32 s0, $0x0;
	s0 =	rddreg [dreg:$0x4]  }
0xd3: {  	s0 =	sadd.s32 @!p0 $0x100000, s0  }
0xd4: {  	[sflag:s0] =	ssyncadd.tile.s32 @!p0 $0x1;
	_ =	shalt  }
.Lfunc_end2:
_tile_overlayer_lowered:
.L_overlay_start_2:
0xd5: {  	(tag) =	ssettag $0x2  }
0xd6: {  	s0 =	rddreg [dreg:$0x0];
	s2 =	stileid.u32  }
0xd7: {  	s1 =	rddreg [dreg:$0x1];
	p0 =	sne.s32 s2, $0x0  }
0xd8: {  	s3 =	rddreg [dreg:$0x2];
	[bflag:$0x3] =	sbarrier.arrive $0xFFFF;
	s2 =	simm.s32 @!p0 $0x1C03  }
0xd9: {  	[timem:s3], [sflag:s2] =	dma.local @!p0 [hbm:s0], s1  }
0xda: {  	s0 =	simm.s32 @!p0 $0x3  }
0xdb: {  	_ =	swait.ge @!p0 [sflag:s0], s1  }
0xdc: {  	s1 =	ssub.s32 @!p0 $0x0, s1;
	[sflag:s0] =	ssyncset.done @!p0 $0x0  }
0xdd: {  	[sflag:s0] =	ssyncadd.s32 @!p0 s1  }
0xde: {  	[bflag:$0x3] =	sbarrier.arrive $0xFFFF  }
0xdf: {  	_ =	shalt  }

// kernel: kernel.9.cloned.1.call-start
scs
__scs_entry_jumppad:
0x0: {  	(pc) =	sbr.rel $0x88, $3  }
0x1: {  	(tag) =	ssettag $0x0;
	lr =	simm.s32 $0x1  }
0x2: {  	[smem:$0x3F93] =	sst lr;
	_ =	strace $0xD0000000  }
0x3: {  	_ = 	snop  }
0x4: {  	_ = 	snop  }
0x5: {  	_ = 	snop  }
0x6: {  	_ = 	snop  }
0x7: {  	_ = 	snop  }
__scs_overlays_trampoline_lowered:
0x8: {  	[smem:$0x3FA2] =	sst s0  }
0x9: {  	[smem:$0x3FA3] =	sst s1  }
0xa: {  	[smem:$0x3FA4] =	sst s2  }
0xb: {  	[smem:$0x3FA5] =	sst s3  }
0xc: {  	[smem:$0x3FA6] =	sst s4  }
0xd: {  	[smem:$0x3FA7] =	sst s5  }
0xe: {  	[smem:$0x3FA8] =	sst s6  }
0xf: {  	[smem:$0x3FA9] =	sst s7  }
0x10: {  	[smem:$0x3FAA] =	sst s8  }
0x11: {  	[smem:$0x3FAB] =	sst s9;
	s0 =	simm.s32 @!p0 $0x0  }
0x12: {  	s1 =	sld [smem:$0x3F91];
	s0 =	simm.s32 @p0 $0x1  }
0x13: {  	[smem:$0x3FAC] =	sst s0;
	s0 =	simm.s32 @!p1 $0x0  }
0x14: {  	s2 =	sld [smem:$0x3F90];
	s0 =	simm.s32 @p1 $0x1  }
0x15: {  	[smem:$0x3FAD] =	sst s0;
	s0 =	simm.s32 @!p2 $0x0  }
0x16: {  	s3 =	sld [smem:$0x3FDB];
	s0 =	simm.s32 @p2 $0x1  }
0x17: {  	s4 =	simm.s32 $0x1BF5;
	[smem:$0x3FAF] =	sst s0  }
0x18: {  	s0 =	sld [smem:$0x3F92];
	_ =	swait.ge [sflag:s4], $0x0  }
0x19: {  	s7 =	sld [smem:$0x3F93]  }
0x1a: {  	s8 =	sadd.s32 $0xFFFFE003, lr  }
0x1b: {  	s9 =	sadd.s32 $0xFFFFFEF7, lr;
	s5 =	simm.s32 $0xFFFFFFFF;
	p2 =	slt.u32 s8, $0xFFFFF086  }
0x1c: {  	p1 =	slt.u32 s9, $0xF7A;
	s5 =	simm.s32 @!p2 $0x0  }
0x1d: {  	s5 =	simm.s32 @p1 $0x1;
	p0 =	seq.s32 s7, s2  }
0x1e: {  	s7 =	smul.u32 @!p0 $0xF7A, s2;
	p2 =	seq.s32 @!p0 s5, $0x0  }
0x1f: {  	s9 =	smul.u32 $0xF7A, s1;
	s8 =	simm.s32 @!p0 $0x1BF5;
	p2 =	por !p2, p0  }
0x20: {  	[sflag:s8] =	ssyncset.s32 @!p0 $0xFFFFF086;
	s6 =	sadd.s32 @!p0 s3, s7;
	s7 =	simm.s32 @!p0 $0x108  }
0x21: {  	s3 =	sadd.s32 s3, s9;
	s6 =	sadd.s32 @!p0 $0x88, s6;
	s7 =	simm.s32 @p2 $0x1082  }
0x22: {  	[simem:s7], [sflag:s8] =	dma.local @!p0 [hbm:s6], $0xF7A  }
0x23: {  	s9 =	sor.u32 $0xD0000000, s2;
	s6 =	simm.s32 $0x108;
	_ =	swait.ge @!p0 [sflag:s8], $0x0  }
0x24: {  	s3 =	sadd.s32 $0x88, s3;
	s6 =	simm.s32 @!p1 $0x1082;
	[sflag:s4] =	ssyncset.s32 $0xFFFFF086  }
0x25: {  	[simem:s6], [sflag:s4] =	dma.local [hbm:s3], $0xF7A  }
0x26: {  	[smem:$0x3F93] =	sst s1;
	(tag) =	ssettag s2;
	_ =	strace s9  }
0x27: {  	s1 =	sld [smem:$0x3FA3]  }
0x28: {  	s2 =	sld [smem:$0x3FA4]  }
0x29: {  	s4 =	sld [smem:$0x3FA6]  }
0x2a: {  	p0 =	seq.s32 s5, $0x0;
	s5 =	sld [smem:$0x3FA7]  }
0x2b: {  	s6 =	sld [smem:$0x3FA8]  }
0x2c: {  	s7 =	sld [smem:$0x3FA9]  }
0x2d: {  	s3 =	simm.s32 $0x108;
	s8 =	sld [smem:$0x3FAA]  }
0x2e: {  	s3 =	simm.s32 @!p0 $0x1082;
	s9 =	sld [smem:$0x3FAB]  }
0x2f: {  	lr =	sadd.s32 s0, s3;
	s0 =	sld [smem:$0x3FA2]  }
0x30: {  	s3 =	sld [smem:$0x3FA5]  }
0x31: {  	[smem:$0x3FAE] =	sst s10  }
0x32: {  	s10 =	sld [smem:$0x3FAC];
	_ =	sdelay $0x3  }
0x33: {  	p0 =	seq.s32 s10, $0x1;
	s10 =	sld [smem:$0x3FAE];
	_ =	sdelay $0x3  }
0x34: {  	[smem:$0x3FAE] =	sst s10  }
0x35: {  	s10 =	sld [smem:$0x3FAD];
	_ =	sdelay $0x3  }
0x36: {  	p1 =	seq.s32 s10, $0x1;
	s10 =	sld [smem:$0x3FAE];
	_ =	sdelay $0x3  }
0x37: {  	[smem:$0x3FAE] =	sst s10  }
0x38: {  	s10 =	sld [smem:$0x3FAF]  }
0x39: {  	_ = 	snop;
	(pc) =	sbr.ind lr, $3  }
0x3a: {  	_ = 	snop  }
0x3b: {  	_ = 	snop  }
0x3c: {  	p2 =	seq.s32 s10, $0x1;
	s10 =	sld [smem:$0x3FAE]  }
0x3d: {  	_ =	shalt  }
0x3e: {  	_ =	shalt  }
0x3f: {  	_ =	shalt  }
0x40: {  	_ =	shalt  }
0x41: {  	_ =	shalt  }
0x42: {  	_ =	shalt  }
0x43: {  	_ =	shalt  }
0x44: {  	_ =	shalt  }
0x45: {  	_ =	shalt  }
0x46: {  	_ =	shalt  }
0x47: {  	_ =	shalt  }
0x48: {  	_ =	shalt  }
0x49: {  	_ =	shalt  }
0x4a: {  	_ =	shalt  }
0x4b: {  	_ =	shalt  }
0x4c: {  	_ =	shalt  }
0x4d: {  	_ =	shalt  }
0x4e: {  	_ =	shalt  }
0x4f: {  	_ =	shalt  }
0x50: {  	_ =	shalt  }
0x51: {  	_ =	shalt  }
0x52: {  	_ =	shalt  }
0x53: {  	_ =	shalt  }
0x54: {  	_ =	shalt  }
0x55: {  	_ =	shalt  }
0x56: {  	_ =	shalt  }
0x57: {  	_ =	shalt  }
0x58: {  	_ =	shalt  }
0x59: {  	_ =	shalt  }
0x5a: {  	_ =	shalt  }
0x5b: {  	_ =	shalt  }
0x5c: {  	_ =	shalt  }
0x5d: {  	_ =	shalt  }
0x5e: {  	_ =	shalt  }
0x5f: {  	_ =	shalt  }
0x60: {  	_ =	shalt  }
0x61: {  	_ =	shalt  }
0x62: {  	_ =	shalt  }
0x63: {  	_ =	shalt  }
0x64: {  	_ =	shalt  }
0x65: {  	_ =	shalt  }
0x66: {  	_ =	shalt  }
0x67: {  	_ =	shalt  }
0x68: {  	_ =	shalt  }
0x69: {  	_ =	shalt  }
0x6a: {  	_ =	shalt  }
0x6b: {  	_ =	shalt  }
0x6c: {  	_ =	shalt  }
0x6d: {  	_ =	shalt  }
0x6e: {  	_ =	shalt  }
0x6f: {  	_ =	shalt  }
0x70: {  	_ =	shalt  }
0x71: {  	_ =	shalt  }
0x72: {  	_ =	shalt  }
0x73: {  	_ =	shalt  }
0x74: {  	_ =	shalt  }
0x75: {  	_ =	shalt  }
0x76: {  	_ =	shalt  }
0x77: {  	_ =	shalt  }
0x78: {  	_ =	shalt  }
0x79: {  	_ =	shalt  }
0x7a: {  	_ =	shalt  }
0x7b: {  	_ =	shalt  }
0x7c: {  	_ =	shalt  }
0x7d: {  	_ =	shalt  }
0x7e: {  	_ =	shalt  }
0x7f: {  	_ =	shalt  }
0x80: {  	_ =	shalt  }
0x81: {  	_ =	shalt  }
0x82: {  	_ =	shalt  }
0x83: {  	_ =	shalt  }
0x84: {  	_ =	shalt  }
0x85: {  	_ =	shalt  }
0x86: {  	_ =	shalt  }
0x87: {  	_ =	shalt  }
.Lfunc_end0:
.L_simem_size_0:
called_computation.1_lowered:
.L_overlay_start_0:
0x88: {  	s2 =	sld [smem:$0x3FD9]  }
0x89: {  	s3 =	sld [smem:$0x3FFE];
	_ =	sdelay $0x1  }
0x8a: {  	s1 =	srdreg.scid  }
0x8b: {  	s0 =	sand.u32 $0x1, s1  }
0x8c: {  	s14 =	sshll.u32 s0, $0xA;
	s2 =	sadd.s32 s3, s2  }
0x8d: {  	s2 =	sadd.s32 s2, s14  }
0x8e: {  	[smem:$0x3FBA] =	sst s2  }
0x8f: {  	_ = 	snop  }
0x90: {  	s2 =	sld [smem:$0x3FD0];
	_ =	sdelay $0x2  }
0x91: {  	s15 =	simm.s32 $0xA;
	s4 =	simm.s32 $0x10  }
0x92: {  	[smem:s4], [sflag:s15] =	dma.local [hbm:s2], $0x1  }
0x93: {  	_ =	swait.eq [sflag:s15], $0x1  }
0x94: {  	[sflag:s15] =	ssyncset.done $0x0  }
0x95: {  	[sflag:s15] =	ssyncadd.s32 $0xFFFFFFFF  }
0x96: {  	s16 =	sld [smem:$0x11];
	(tm) =	ssettm $0x1  }
0x97: {  	s17 =	sld [smem:$0x3FFB];
	_ =	sdelay $0x3  }
0x98: {  	_ =	strace s17  }
0x99: {  	s3 =	sld [smem:$0x3FFC];
	_ =	sdelay $0x3  }
0x9a: {  	_ =	strace s3  }
0x9b: {  	s3 =	sld [smem:$0x3FFD];
	_ =	sdelay $0x3  }
0x9c: {  	_ =	strace s3  }
0x9d: {  	_ =	strace $0x8FFFFFFF  }
0x9e: {  	s18 =	sld [smem:$0x3FDB];
	_ =	sdelay $0x1  }
0x9f: {  	s19 =	simm.s32 $_scs_section_size  }
0xa0: {  	s5 =	simm.s32 $_size__tile_overlayer_lowered;
	s6 =	simm.s32 $_tile_overlayer_lowered  }
0xa1: {  	s22 =	simm.s32 $0x1BFF;
	s21 =	sshll.u32 s6, $0x1;
	s3 =	sadd.s32 s19, s18  }
0xa2: {  	s7 =	simm.s32 $0x0;
	s20 =	sshll.u32 s5, $0x1;
	s5 =	sadd.s32 s21, s3  }
0xa3: {  	[timem:s7], [sflag:s22] =	dma.local [hbm:s5], s20  }
0xa4: {  	_ =	swait.ge [sflag:s22], s20  }
0xa5: {  	s4 =	ssub.s32 $0x0, s20;
	[sflag:s22] =	ssyncset.done $0x0  }
0xa6: {  	[sflag:s22] =	ssyncadd.s32 s4;
	_ =	sdelay $0x1  }
0xa7: {  	s23 =	simm.s32 $0x1B8B  }
0xa8: {  	_ =	swait.ge [sflag:s23], $0x1  }
0xa9: {  	[sflag:s23] =	ssyncset.done $0x0  }
0xaa: {  	s25 =	simm.s32 $0x1B8E;
	s24 =	sld [smem:$0x3FFE];
	[sflag:s23] =	ssyncadd.s32 $0xFFFFFFFF  }
0xab: {  	s26 =	simm.s32 $execute0_lowered;
	[smem:$0x3FD2] =	sst s25  }
0xac: {  	s5 =	sshll.u32 s26, $0x1;
	_ =	strace $0x80000049;
	[dreg:$0x1] =	wrdreg $0xFFFFFFFF  }
0xad: {  	s28 =	simm.s32 $_size_execute0_lowered;
	s3 =	sadd.s32 s3, s5;
	[dreg:$0x0] =	wrdreg $0x0  }
0xae: {  	s5 =	sshll.u32 s28, $0x1;
	[dreg:$0x2] =	wrdreg s3  }
0xaf: {  	[dreg:$0x3] =	wrdreg s5  }
0xb0: {  	[dreg:$0x4] =	wrdreg $0xC0  }
0xb1: {  	_ =	task [dreg:s7], $0x5FFFF  }
0xb2: {  	[dreg:$0x1] =	wrdreg $0xFFFFFFFF  }
0xb3: {  	[dreg:$0x0] =	wrdreg $0x60  }
0xb4: {  	[dreg:$0x2] =	wrdreg s16  }
0xb5: {  	[dreg:$0x3] =	wrdreg s24  }
0xb6: {  	[dreg:$0x4] =	wrdreg $0x0  }
0xb7: {  	[dreg:$0x5] =	wrdreg $0x9  }
0xb8: {  	_ =	task.clear_ibuf [dreg:s7], $0x6FFFF;
	_ =	strace $0x90000049  }
0xb9: {  	s29 =	simm.s32 $0x9;
	_ =	strace $0x8000004B  }
0xba: {  	_ =	swait.ge [sflag:s29], $0x1  }
0xbb: {  	[sflag:s29] =	ssyncadd.s32 $0xFFFFFFFF  }
0xbc: {  	_ =	strace $0x9000004B  }
0xbd: {  	_ =	sfence  }
0xbe: {  	s30 =	sld [smem:$0x0];
	_ =	sdelay $0x2  }
0xbf: {  	s31 =	sshll.u32 s1, $0xD;
	s1 =	sshrl.u32 s1, $0x2  }
0xc0: {  	s3 =	sand.u32 $0x4000, s31;
	s1 =	sadd.s32 s1, s30  }
0xc1: {  	s0 =	sor.u32 s3, s0;
	s1 =	sshll.u32 s1, $0x11  }
0xc2: {  	s0 =	sor.u32 s1, s0  }
0xc3: {  	s0 =	sadd.s32 $0x8F2B, s0  }
0xc4: {  	[sflag:s0] =	ssyncadd.remote.s32 $0x1  }
0xc5: {  	_ =	sfence.sel $0xFFFF  }
0xc6: {  	[dreg:$0x0] =	wrdreg $0xFFFFFFFF;
	(pc) =	sbr.abs _section_cstart, $3  }
0xc7: {  	[dreg:$0x1] =	wrdreg $0xFFFFFFFF  }
0xc8: {  	_ =	task.clear_ibuf [dreg:s7], $0x2FFFF;
	_ =	strace $0x9FFFFFFF  }
0xc9: {  	(tm) =	ssettm $0x7FFFFFFF  }
tec
execute0_lowered:
.L_overlay_start_1:
0x0: {  	(tag) =	ssettag $0x1  }
0x1: {  	s2 =	rddreg [dreg:$0x0]  }
0x2: {  	s5 =	rddreg [dreg:$0x1]  }
0x3: {  	s3 =	rddreg [dreg:$0x2]  }
0x4: {  	s0 =	rddreg [dreg:$0x3]  }
0x5: {  	s1 =	stileid.u32;
	s6 =	srdreg.scid;
	s4 =	simm.s32 $0x0  }
0x6: {  	s16 =	simm.s32 $0x13C00;
	s17 =	simm.s32 $0x50;
	s18 =	simm.s32 $0x14400  }
0x7: {  	s19 =	simm.s32 $0x14000;
	s20 =	simm.s32 $0x16C00;
	s21 =	simm.s32 $0x1  }
0x8: {  	s22 =	simm.s32 $0x13C80;
	s7 =	smul.u32 $0x2780, s1;
	s6 =	sand.u32 $0x1, s6  }
0x9: {  	[smem:$0x7FF] =	sst s4;
	s11 =	sadd.s32 $0x2A00, s5;
	s12 =	smul.u32 $0x4F000, s1  }
0xa: {  	s23 =	sshll.u32 s1, $0x1;
	s28 =	smul.u32 $0xFA, s1;
	s30 =	sshll.u32 s1, $0x6  }
0xb: {  	s8 =	smul.u32 $0x27800, s6;
	_ =	strace $0x8000004A;
	s10 =	ssub.s32 $0x2, s6  }
0xc: {  	s29 =	smul.u32 $0x7D, s6;
	s9 =	sadd.s32 s7, s5;
	s24 =	sshrl.u32 s10, $0x1  }
0xd: {  	s26 =	sshrl.u32 s12, $0x2;
	s7 =	sadd.s32 s7, s8;
	s8 =	sor.u32 s6, s23  }
0xe: {  	s10 =	ssub.s32 s10, s24;
	s14 =	sadd.s32 s26, s3;
	s6 =	sor.u32 $0x1C03, s30  }
0xf: {  	s23 =	simm.s32 $0x2;
	s24 =	simm.s32 $0x14080;
	s25 =	smul.u32 $0x1F400, s8  }
0x10: {  	s13 =	sadd.s32 s7, s5;
	s5 =	sadd.s32 $0x7FA00, s9;
	s8 =	smul.u32 $0x3E80, s8  }
0x11: {  	s9 =	sadd.s32 s29, s28;
	s10 =	smax.u32 s10, $0x1;
	s14 =	sshrl.u32 s14, $0x3  }
0x12: {  	s12 =	sshll.u32 s9, $0x7;
	s9 =	sadd.s32 $0xA7200, s13;
	s7 =	sshrl.u32 s25, $0x3  }
0x13: {  	s31 =	sadd.s32 s12, s11;
	s25 =	simm.s32 $0x0;
	s15 =	sadd.s32 s11, s7  }
0x14: {  	s7 =	sadd.s32 s11, s8;
	s12 =	sadd.s32 $0x180, s31;
	s13 =	sadd.s32 $0x100, s31  }
0x15: {  	s8 =	sadd.s32 $0x80, s15;
	s11 =	sadd.s32 $0x3E00, s7;
	s15 =	simm.s32 $0x3  }
.LBB2_1:
0x16: {  	[spmem:s14], [sflag:s6] =	dma.local [hbm:s5], $0x2780  }
0x17: {  	_ =	swait.ge [sflag:s15], $0x2780  }
0x18: {  	[sflag:s15] =	ssyncset.done $0x0  }
0x19: {  	[sflag:s15] =	ssyncadd.s32 $0xFFFFD880  }
0x1a: {  	[bflag:$0x0] =	sbarrier.arrive $0xFFFF  }
0x1b: {  	[tilespmem:s16], [sflag:$0x3] =	stream.linear.gather [hbm4b:s7+s4], $0x400, $0x38;
	[tilespmem:$0x19400] =	vst v63  }
0x1c: {  	_ =	swait.ge [sflag:s15], $0x400  }
0x1d: {  	[sflag:s15] =	ssyncset.done $0x0  }
0x1e: {  	[sflag:s15] =	ssyncadd.s32 $0xFFFFFC00  }
0x1f: {  	[tilespmem:s18], [sflag:$0x1] =	stream.indirect.gather [hbm4b:s2+s17], $0x80, s16, s17, $0xb8;
	[tilespmem:$0x19400] =	vst v63  }
0x20: {  	_ = 	snop  }
0x21: {  	[tilespmem:s19], [sflag:$0x3] =	stream.linear.gather [hbm4b:s8+s4], $0x400, $0x38;
	[tilespmem:$0x19400] =	vst v63  }
0x22: {  	_ =	swait.ge [sflag:s15], $0x400  }
0x23: {  	[sflag:s15] =	ssyncset.done $0x0  }
0x24: {  	[sflag:s15] =	ssyncadd.s32 $0xFFFFFC00  }
0x25: {  	[tilespmem:s20], [sflag:$0x2] =	stream.indirect.gather [hbm4b:s2+s17], $0x80, s19, s17, $0xb8;
	[tilespmem:$0x19400] =	vst v63  }
0x26: {  	_ =	swait.ge [sflag:s21], $0x2800  }
0x27: {  	[sflag:s21] =	ssyncset.done $0x0  }
0x28: {  	[sflag:s21] =	ssyncadd.s32 $0xFFFFD800  }
0x29: {  	[spmem:s3] =	stream.indirect.scatter.add.f32 [tilespmem:s18], [sflag:$0x3], $0x80, s22, s17, $0xb8;
	[tilespmem:$0x19400] =	vst v63  }
0x2a: {  	_ =	swait.ge [sflag:s15], $0x2800  }
0x2b: {  	[sflag:s15] =	ssyncset.done $0x0  }
0x2c: {  	s26 =	sadd.s32 $0x0, s13;
	[sflag:s15] =	ssyncadd.s32 $0xFFFFD800  }
0x2d: {  	[tilespmem:s16], [sflag:$0x3] =	stream.linear.gather [hbm4b:s26+s4], $0x400, $0x38;
	[tilespmem:$0x19400] =	vst v63  }
0x2e: {  	_ =	swait.ge [sflag:s15], $0x400  }
0x2f: {  	[sflag:s15] =	ssyncset.done $0x0  }
0x30: {  	[sflag:s15] =	ssyncadd.s32 $0xFFFFFC00  }
0x31: {  	[tilespmem:s18], [sflag:$0x1] =	stream.indirect.gather [hbm4b:s2+s17], $0x80, s16, s17, $0xb8;
	[tilespmem:$0x19400] =	vst v63  }
0x32: {  	_ =	swait.ge [sflag:s23], $0x2800  }
0x33: {  	[sflag:s23] =	ssyncset.done $0x0  }
0x34: {  	[sflag:s23] =	ssyncadd.s32 $0xFFFFD800  }
0x35: {  	[spmem:s3] =	stream.indirect.scatter.add.f32 [tilespmem:s20], [sflag:$0x3], $0x80, s24, s17, $0xb8;
	[tilespmem:$0x19400] =	vst v63  }
0x36: {  	_ =	swait.ge [sflag:s15], $0x2800  }
0x37: {  	[sflag:s15] =	ssyncset.done $0x0  }
0x38: {  	s31 =	sadd.s32 $0x0, s12;
	[sflag:s15] =	ssyncadd.s32 $0xFFFFD800  }
0x39: {  	[tilespmem:s19], [sflag:$0x3] =	stream.linear.gather [hbm4b:s31+s4], $0x400, $0x38;
	[tilespmem:$0x19400] =	vst v63  }
0x3a: {  	_ =	swait.ge [sflag:s15], $0x400  }
0x3b: {  	[sflag:s15] =	ssyncset.done $0x0  }
0x3c: {  	s26 =	simm.s32 $0x100;
	[sflag:s15] =	ssyncadd.s32 $0xFFFFFC00  }
.LBB2_2:
0x3d: {  	[tilespmem:s20], [sflag:$0x2] =	stream.indirect.gather [hbm4b:s2+s17], $0x80, s19, s17, $0xb8;
	[tilespmem:$0x19400] =	vst v63  }
0x3e: {  	s28 =	smov.u32 s26  }
0x3f: {  	p0 =	sne.s32 s26, $0x3C00;
	s26 =	sadd.s32 $0x100, s26;
	_ =	swait.ge [sflag:s21], $0x2800  }
0x40: {  	[sflag:s21] =	ssyncset.done $0x0  }
0x41: {  	[sflag:s21] =	ssyncadd.s32 $0xFFFFD800  }
0x42: {  	[spmem:s3] =	stream.indirect.scatter.add.f32 [tilespmem:s18], [sflag:$0x3], $0x80, s22, s17, $0xb8;
	[tilespmem:$0x19400] =	vst v63  }
0x43: {  	_ =	swait.ge [sflag:s15], $0x2800  }
0x44: {  	[sflag:s15] =	ssyncset.done $0x0  }
0x45: {  	s29 =	sadd.s32 s28, s13;
	[sflag:s15] =	ssyncadd.s32 $0xFFFFD800  }
0x46: {  	[tilespmem:s16], [sflag:$0x3] =	stream.linear.gather [hbm4b:s29+s4], $0x400, $0x38;
	[tilespmem:$0x19400] =	vst v63  }
0x47: {  	_ =	swait.ge [sflag:s15], $0x400  }
0x48: {  	[sflag:s15] =	ssyncset.done $0x0  }
0x49: {  	[sflag:s15] =	ssyncadd.s32 $0xFFFFFC00  }
0x4a: {  	[tilespmem:s18], [sflag:$0x1] =	stream.indirect.gather [hbm4b:s2+s17], $0x80, s16, s17, $0xb8;
	[tilespmem:$0x19400] =	vst v63  }
0x4b: {  	_ =	swait.ge [sflag:s23], $0x2800  }
0x4c: {  	[sflag:s23] =	ssyncset.done $0x0  }
0x4d: {  	[sflag:s23] =	ssyncadd.s32 $0xFFFFD800  }
0x4e: {  	[spmem:s3] =	stream.indirect.scatter.add.f32 [tilespmem:s20], [sflag:$0x3], $0x80, s24, s17, $0xb8;
	[tilespmem:$0x19400] =	vst v63  }
0x4f: {  	_ =	swait.ge [sflag:s15], $0x2800  }
0x50: {  	[sflag:s15] =	ssyncset.done $0x0  }
.Ltmp0:
0x51: {  	s28 =	sadd.s32 s28, s12;
	[sflag:s15] =	ssyncadd.s32 $0xFFFFD800;
	(pc) =	sbr.rel @p0 .LBB2_2-.Ltmp0, $4  }
0x52: {  	[tilespmem:s19], [sflag:$0x3] =	stream.linear.gather [hbm4b:s28+s4], $0x400, $0x38;
	[tilespmem:$0x19400] =	vst v63  }
0x53: {  	_ =	swait.ge [sflag:s15], $0x400  }
0x54: {  	[sflag:s15] =	ssyncset.done $0x0  }
0x55: {  	[sflag:s15] =	ssyncadd.s32 $0xFFFFFC00  }
0x56: {  	[tilespmem:s20], [sflag:$0x2] =	stream.indirect.gather [hbm4b:s2+s17], $0x80, s19, s17, $0xb8;
	[tilespmem:$0x19400] =	vst v63  }
0x57: {  	_ =	swait.ge [sflag:s21], $0x2800  }
0x58: {  	[sflag:s21] =	ssyncset.done $0x0  }
0x59: {  	[sflag:s21] =	ssyncadd.s32 $0xFFFFD800  }
0x5a: {  	[spmem:s3] =	stream.indirect.scatter.add.f32 [tilespmem:s18], [sflag:$0x3], $0x80, s22, s17, $0xb8;
	[tilespmem:$0x19400] =	vst v63  }
0x5b: {  	_ =	swait.ge [sflag:s15], $0x2800  }
0x5c: {  	[sflag:s15] =	ssyncset.done $0x0  }
0x5d: {  	[sflag:s15] =	ssyncadd.s32 $0xFFFFD800  }
0x5e: {  	[tilespmem:s16], [sflag:$0x3] =	stream.linear.gather [hbm4b:s11+s4], $0x400, $0x38;
	[tilespmem:$0x19400] =	vst v63  }
0x5f: {  	_ =	swait.ge [sflag:s15], $0x400  }
0x60: {  	[sflag:s15] =	ssyncset.done $0x0  }
0x61: {  	[sflag:s15] =	ssyncadd.s32 $0xFFFFFC00  }
0x62: {  	[tilespmem:s18], [sflag:$0x1] =	stream.indirect.gather [hbm4b:s2+s17], $0x80, s16, s17, $0xb8;
	[tilespmem:$0x19400] =	vst v63  }
0x63: {  	_ =	swait.ge [sflag:s23], $0x2800  }
0x64: {  	[sflag:s23] =	ssyncset.done $0x0  }
0x65: {  	[sflag:s23] =	ssyncadd.s32 $0xFFFFD800  }
0x66: {  	[spmem:s3] =	stream.indirect.scatter.add.f32 [tilespmem:s20], [sflag:$0x3], $0x80, s24, s17, $0xb8;
	[tilespmem:$0x19400] =	vst v63  }
0x67: {  	_ =	swait.ge [sflag:s15], $0x2800  }
0x68: {  	[sflag:s15] =	ssyncset.done $0x0  }
0x69: {  	[sflag:s15] =	ssyncadd.s32 $0xFFFFD800  }
0x6a: {  	_ =	swait.ge [sflag:s21], $0x2800  }
0x6b: {  	[sflag:s21] =	ssyncset.done $0x0  }
0x6c: {  	[sflag:s21] =	ssyncadd.s32 $0xFFFFD800  }
0x6d: {  	[spmem:s3] =	stream.indirect.scatter.add.f32 [tilespmem:s18], [sflag:$0x3], $0x80, s22, s17, $0xb8;
	[tilespmem:$0x19400] =	vst v63  }
0x6e: {  	_ =	swait.ge [sflag:s15], $0x2800  }
0x6f: {  	s25 =	sadd.s32 $0x1, s25;
	[sflag:s15] =	ssyncset.done $0x0  }
0x70: {  	p0 =	sne.s32 s25, s10;
	[sflag:s15] =	ssyncadd.s32 $0xFFFFD800  }
.Ltmp1:
0x71: {  	[bflag:$0x0] =	sbarrier.arrive $0xFFFF;
	(pc) =	sbr.rel @p0 .LBB2_1-.Ltmp1, $4  }
0x72: {  	[hbm:s9], [sflag:s6] =	dma.local [spmem:s14], $0x2780  }
0x73: {  	_ =	swait.ge [sflag:s15], $0x2780  }
0x74: {  	[sflag:s15] =	ssyncset.done $0x0  }
0x75: {  	[sflag:s15] =	ssyncadd.s32 $0xFFFFD880  }
0x76: {  	_ =	sfence.sel $0x180000  }
0x77: {  	[bflag:$0x0] =	sbarrier.arrive $0xFFFF  }
0x78: {  	p0 =	sne.s32 s1, $0x0;
	_ =	strace $0x9000004A  }
0x79: {  	s0 =	sadd.s32 @!p0 $0x100000, s0;
	[bflag:$0x2] =	sbarrier.arrive $0xFFFF  }
0x7a: {  	[sflag:s0] =	ssyncadd.tile.s32 @!p0 $0x1;
	_ =	shalt  }
.Lfunc_end2:
_tile_overlayer_lowered:
.L_overlay_start_2:
0x7b: {  	(tag) =	ssettag $0x2  }
0x7c: {  	s0 =	rddreg [dreg:$0x0];
	s2 =	stileid.u32  }
0x7d: {  	s1 =	rddreg [dreg:$0x1];
	p0 =	sne.s32 s2, $0x0  }
0x7e: {  	s3 =	rddreg [dreg:$0x2];
	[bflag:$0x3] =	sbarrier.arrive $0xFFFF;
	s2 =	simm.s32 @!p0 $0x1C03  }
0x7f: {  	[timem:s3], [sflag:s2] =	dma.local @!p0 [hbm:s0], s1  }
0x80: {  	s0 =	simm.s32 @!p0 $0x3  }
0x81: {  	_ =	swait.ge @!p0 [sflag:s0], s1  }
0x82: {  	s1 =	ssub.s32 @!p0 $0x0, s1;
	[sflag:s0] =	ssyncset.done @!p0 $0x0  }
0x83: {  	[sflag:s0] =	ssyncadd.s32 @!p0 s1  }
0x84: {  	[bflag:$0x3] =	sbarrier.arrive $0xFFFF  }
0x85: {  	_ =	shalt  }

</sc_bundles>
